<compile_context>
chip_gen: v7x
topology: tpu7x:2x2x1
jax: 0.10.2.dev20260603
libtpu: 0.0.44.dev20260713+nightly
codegen_flags: <defaults>
</compile_context>

<pallas_src>
import functools

import jax
import jax.numpy as jnp
from jax import lax
from jax.experimental import pallas as pl
from jax.experimental.pallas import tpu as pltpu
from jax.experimental.pallas import tpu_sc as plsc

_INFO = plsc.get_sparse_core_info()
_NC, _NS, _L = _INFO.num_cores, _INFO.num_subcores, _INFO.num_lanes
_NW = _NC * _NS

_CHUNK = 32


def _build_lookup(b, s, d, n_chunks, n_pos):
    b_per_w = n_chunks * _CHUNK
    mesh = plsc.VectorSubcoreMesh(core_axis_name="c", subcore_axis_name="s")

    @functools.partial(
        pl.kernel,
        mesh=mesh,
        out_type=jax.ShapeDtypeStruct((b, s, d), jnp.float32),
        scratch_types=[
            pltpu.VMEM((b_per_w,), jnp.int32),
            pltpu.VMEM((b_per_w,), jnp.int32),
            pltpu.VMEM((b_per_w, d), jnp.float32),
            pltpu.VMEM_SHARED((n_pos, d), jnp.float32),
            pltpu.SemaphoreType.DMA,
            pltpu.SemaphoreType.DMA,
            pltpu.SemaphoreType.DMA,
        ]
        + [pltpu.SemaphoreType.DMA for _ in range(2 * n_chunks)],
    )
    def emb_kernel(tok_hbm, pos_hbm, tokt_hbm, post_hbm, out_hbm,
                   tidx, pidx, trows, post_sh, isem, ssem, osem, *sems):
        tsems, psems = sems[:n_chunks], sems[n_chunks:]
        sid = lax.axis_index("s")
        wid = sid * _NC + lax.axis_index("c")
        bb = wid // (s // b_per_w)
        s0 = (wid % (s // b_per_w)) * b_per_w
        i0 = pltpu.async_copy(tok_hbm.at[bb, pl.ds(s0, b_per_w)], tidx, isem)
        i1 = pltpu.async_copy(pos_hbm.at[bb, pl.ds(s0, b_per_w)], pidx, isem)
        p_per_t = n_pos // _NS
        stg = pltpu.async_copy(
            post_hbm.at[pl.ds(sid * p_per_t, p_per_t)],
            post_sh.at[pl.ds(sid * p_per_t, p_per_t)],
            ssem)
        i0.wait()
        tok_gathers = []
        for j in range(n_chunks):
            sl = pl.ds(j * _CHUNK, _CHUNK)
            tok_gathers.append(
                pltpu.async_copy(tokt_hbm.at[tidx.at[sl]], trows.at[sl], tsems[j]))
        i1.wait()
        stg.wait()
        plsc.subcore_barrier()
        pos_adds = [None] * n_chunks
        stores = []
        for j in range(n_chunks):
            tok_gathers[j].wait()
            sl = pl.ds(j * _CHUNK, _CHUNK)
            pos_adds[j] = pltpu.async_copy(
                post_sh.at[pidx.at[sl]], trows.at[sl], psems[j], add=True)
            if j > 0:
                pos_adds[j - 1].wait()
                sl0 = pl.ds((j - 1) * _CHUNK, _CHUNK)
                stores.append(pltpu.async_copy(
                    trows.at[sl0],
                    out_hbm.at[bb, pl.ds(s0 + (j - 1) * _CHUNK, _CHUNK)],
                    osem))
        pos_adds[n_chunks - 1].wait()
        sl0 = pl.ds((n_chunks - 1) * _CHUNK, _CHUNK)
        stores.append(pltpu.async_copy(
            trows.at[sl0],
            out_hbm.at[bb, pl.ds(s0 + (n_chunks - 1) * _CHUNK, _CHUNK)],
            osem))
        for st in stores:
            st.wait()

    return emb_kernel


def kernel(d_model, max_len, tok_table, pos_table):
    tokens, positions = d_model, max_len
    b, s = tokens.shape
    d = tok_table.shape[1]
    n_chunks = (b * s) // (_NW * _CHUNK)
    fn = _build_lookup(b, s, d, n_chunks, pos_table.shape[0])
    return fn(tokens.astype(jnp.int32), positions.astype(jnp.int32),
              tok_table, pos_table)

# --- scband reference (transcript-rebuilt; emitter-appended) ---
"""Pipeline reference for scband-transformer-positional-embedding-66571993088357 (READ-ONLY COPY).

The authoritative reference and input builder live on the scoring server;
editing this copy changes nothing except your own understanding.
"""

import jax, jax.numpy as jnp
import numpy as np

VOCAB = 100000
MAX_LEN = 2048
EMBED_DIM = 128
BATCH = 4
SEQ = 2048

def setup_inputs(seed: int = 0) -> dict:
    key = jax.random.key(seed)
    k1, k2, k3, k4 = jax.random.split(key, 4)
    tokens = jax.random.randint(k1, (BATCH, SEQ), 0, VOCAB, dtype=jnp.int64 if jax.config.read('jax_enable_x64') else jnp.int32)
    positions = jax.random.randint(k2, (BATCH, SEQ), 0, MAX_LEN, dtype=jnp.int64 if jax.config.read('jax_enable_x64') else jnp.int32)
    tok_table = jax.random.normal(k3, (VOCAB, EMBED_DIM), dtype=jnp.float32) * 0.02
    pos_table = jax.random.normal(k4, (MAX_LEN, EMBED_DIM), dtype=jnp.float32) * 0.02
    return {"d_model": tokens, "max_len": positions, "tok_table": tok_table, "pos_table": pos_table}

def reference(d_model, max_len, tok_table, pos_table):
    # tok_embedding(d_model): gather rows of token table
    word_embedding = jnp.take(tok_table, d_model, axis=0)
    # pos_embedding(max_len): gather rows of positional table
    position_embedding = jnp.take(pos_table, max_len, axis=0)
    return word_embedding + position_embedding

if __name__ == "__main__":
    import jax
    _d = setup_inputs()
    print(jax.jit(kernel)(*tuple(_d.values())))

</pallas_src>

<mosaic_0001>
#map = affine_map<(d0, d1) -> (0, 0)>
#map1 = affine_map<(d0, d1) -> (0, 0, 0)>
module attributes {stable_mosaic.version = 14 : i64} {
  func.func @emb_kernel(%arg0: i32, %arg1: i32, %arg2: memref<4x2048xi32, #tpu.memory_space<hbm>>, %arg3: memref<4x2048xi32, #tpu.memory_space<hbm>>, %arg4: memref<100000x128xf32, #tpu.memory_space<hbm>>, %arg5: memref<2048x128xf32, #tpu.memory_space<hbm>>, %arg6: memref<4x2048x128xf32, #tpu.memory_space<hbm>>, %arg7: memref<256xi32, #tpu.memory_space<vmem>>, %arg8: memref<256xi32, #tpu.memory_space<vmem>>, %arg9: memref<256x128xf32, #tpu.memory_space<vmem>>, %arg10: memref<2048x128xf32, #tpu.memory_space<vmem_shared>>, %arg11: memref<!tpu.dma_semaphore, #tpu.memory_space<semaphore_mem>>, %arg12: memref<!tpu.dma_semaphore, #tpu.memory_space<semaphore_mem>>, %arg13: memref<!tpu.dma_semaphore, #tpu.memory_space<semaphore_mem>>, %arg14: memref<!tpu.dma_semaphore, #tpu.memory_space<semaphore_mem>>, %arg15: memref<!tpu.dma_semaphore, #tpu.memory_space<semaphore_mem>>, %arg16: memref<!tpu.dma_semaphore, #tpu.memory_space<semaphore_mem>>, %arg17: memref<!tpu.dma_semaphore, #tpu.memory_space<semaphore_mem>>, %arg18: memref<!tpu.dma_semaphore, #tpu.memory_space<semaphore_mem>>, %arg19: memref<!tpu.dma_semaphore, #tpu.memory_space<semaphore_mem>>, %arg20: memref<!tpu.dma_semaphore, #tpu.memory_space<semaphore_mem>>, %arg21: memref<!tpu.dma_semaphore, #tpu.memory_space<semaphore_mem>>, %arg22: memref<!tpu.dma_semaphore, #tpu.memory_space<semaphore_mem>>, %arg23: memref<!tpu.dma_semaphore, #tpu.memory_space<semaphore_mem>>, %arg24: memref<!tpu.dma_semaphore, #tpu.memory_space<semaphore_mem>>, %arg25: memref<!tpu.dma_semaphore, #tpu.memory_space<semaphore_mem>>, %arg26: memref<!tpu.dma_semaphore, #tpu.memory_space<semaphore_mem>>, %arg27: memref<!tpu.dma_semaphore, #tpu.memory_space<semaphore_mem>>, %arg28: memref<!tpu.dma_semaphore, #tpu.memory_space<semaphore_mem>>, %arg29: memref<!tpu.dma_semaphore, #tpu.memory_space<semaphore_mem>>) attributes {dimension_semantics = [#tpu.dimension_semantics<core_parallel>, #tpu.dimension_semantics<subcore_parallel>], iteration_bounds = array<i64: 2, 16>, scalar_prefetch = 0 : i64, scratch_operands = 23 : i64, tpu.core_type = #tpu.core_type<sc_vector_subcore>, window_params = [{transform_indices = #map}, {transform_indices = #map}, {transform_indices = #map}, {transform_indices = #map}, {transform_indices = #map1}]} {
    %mul3A = arith.constant 2 : i32
    %mul3A_0 = arith.muli %arg1, %mul3A : i32
    %add3A = arith.addi %mul3A_0, %arg0 : i32
    %jit3A = arith.constant 8 : i32
    %div3A = arith.divsi %add3A, %jit3A : i32
    %sign3A = arith.constant 0 : i32
    %sign3A_1 = arith.cmpi sgt, %add3A, %sign3A : i32
    %sign3A_2 = arith.extui %sign3A_1 : i1 to i32
    %sign3A_3 = arith.constant 0 : i32
    %sign3A_4 = arith.cmpi slt, %add3A, %sign3A_3 : i32
    %sign3A_5 = arith.extui %sign3A_4 : i1 to i32
    %sign3A_6 = arith.subi %sign3A_2, %sign3A_5 : i32
    %sign3A_7 = arith.constant 0 : i32
    %sign3A_8 = arith.cmpi sgt, %jit3A, %sign3A_7 : i32
    %sign3A_9 = arith.extui %sign3A_8 : i1 to i32
    %sign3A_10 = arith.constant 0 : i32
    %sign3A_11 = arith.cmpi slt, %jit3A, %sign3A_10 : i32
    %sign3A_12 = arith.extui %sign3A_11 : i1 to i32
    %sign3A_13 = arith.subi %sign3A_9, %sign3A_12 : i32
    %ne3A = arith.cmpi ne, %sign3A_6, %sign3A_13 : i32
    %rem3A = arith.remsi %add3A, %jit3A : i32
    %ne3A_14 = arith.constant 0 : i32
    %ne3A_15 = arith.cmpi ne, %rem3A, %ne3A_14 : i32
    %and3A = arith.andi %ne3A, %ne3A_15 : i1
    %sub3A = arith.constant 1 : i32
    %sub3A_16 = arith.subi %div3A, %sub3A : i32
    %select_n3A = arith.select %and3A, %sub3A_16, %div3A : i32
    %jit3A_17 = arith.constant 8 : i32
    %eq3A = arith.constant 0 : i32
    %eq3A_18 = arith.cmpi eq, %jit3A_17, %eq3A : i32
    %jit3A_19 = arith.constant 1 : i32
    %select_n3A_20 = arith.select %eq3A_18, %jit3A_19, %jit3A_17 : i32
    %rem3A_21 = arith.remsi %add3A, %select_n3A_20 : i32
    %ne3A_22 = arith.constant 0 : i32
    %ne3A_23 = arith.cmpi ne, %rem3A_21, %ne3A_22 : i32
    %lt3A = arith.constant 0 : i32
    %lt3A_24 = arith.cmpi slt, %rem3A_21, %lt3A : i32
    %lt3A_25 = arith.constant 0 : i32
    %lt3A_26 = arith.cmpi slt, %select_n3A_20, %lt3A_25 : i32
    %ne3A_27 = arith.xori %lt3A_24, %lt3A_26 : i1
    %and3A_28 = arith.andi %ne3A_27, %ne3A_23 : i1
    %add3A_29 = arith.addi %rem3A_21, %select_n3A_20 : i32
    %select_n3A_30 = arith.select %and3A_28, %add3A_29, %rem3A_21 : i32
    %mul3A_31 = arith.constant 256 : i32
    %mul3A_32 = arith.muli %select_n3A_30, %mul3A_31 : i32
    %dma_start3A = tpu.memref_slice %arg2[%select_n3A, %mul3A_32] : memref<4x2048xi32, #tpu.memory_space<hbm>> -> memref<1x256xi32, #tpu.memory_space<hbm>>
    %dma_start3A_33 = tpu.memref_squeeze %dma_start3A : memref<1x256xi32, #tpu.memory_space<hbm>> -> memref<256xi32, #tpu.memory_space<hbm>>
    %dma_start3A_34 = tpu.memref_slice %arg2[%select_n3A, %mul3A_32] : memref<4x2048xi32, #tpu.memory_space<hbm>> -> memref<1x256xi32, #tpu.memory_space<hbm>>
    %dma_start3A_35 = tpu.memref_squeeze %dma_start3A_34 : memref<1x256xi32, #tpu.memory_space<hbm>> -> memref<256xi32, #tpu.memory_space<hbm>>
    tpu.enqueue_dma source(%dma_start3A_35 : memref<256xi32, #tpu.memory_space<hbm>>) target(%arg7 : memref<256xi32, #tpu.memory_space<vmem>>) target_semaphore(%arg11 : memref<!tpu.dma_semaphore, #tpu.memory_space<semaphore_mem>>)
    %dma_start3A_36 = tpu.memref_slice %arg3[%select_n3A, %mul3A_32] : memref<4x2048xi32, #tpu.memory_space<hbm>> -> memref<1x256xi32, #tpu.memory_space<hbm>>
    %dma_start3A_37 = tpu.memref_squeeze %dma_start3A_36 : memref<1x256xi32, #tpu.memory_space<hbm>> -> memref<256xi32, #tpu.memory_space<hbm>>
    %dma_start3A_38 = tpu.memref_slice %arg3[%select_n3A, %mul3A_32] : memref<4x2048xi32, #tpu.memory_space<hbm>> -> memref<1x256xi32, #tpu.memory_space<hbm>>
    %dma_start3A_39 = tpu.memref_squeeze %dma_start3A_38 : memref<1x256xi32, #tpu.memory_space<hbm>> -> memref<256xi32, #tpu.memory_space<hbm>>
    tpu.enqueue_dma source(%dma_start3A_39 : memref<256xi32, #tpu.memory_space<hbm>>) target(%arg8 : memref<256xi32, #tpu.memory_space<vmem>>) target_semaphore(%arg11 : memref<!tpu.dma_semaphore, #tpu.memory_space<semaphore_mem>>)
    %mul3A_40 = arith.constant 128 : i32
    %mul3A_41 = arith.muli %arg1, %mul3A_40 : i32
    %mul3A_42 = arith.constant 128 : i32
    %mul3A_43 = arith.muli %arg1, %mul3A_42 : i32
    %dma_start3A_44 = arith.constant 0 : i32
    %dma_start3A_45 = tpu.memref_slice %arg10[%mul3A_43, %dma_start3A_44] : memref<2048x128xf32, #tpu.memory_space<vmem_shared>> -> memref<128x128xf32, #tpu.memory_space<vmem_shared>>
    %dma_start3A_46 = arith.constant 0 : i32
    %dma_start3A_47 = tpu.memref_slice %arg5[%mul3A_41, %dma_start3A_46] : memref<2048x128xf32, #tpu.memory_space<hbm>> -> memref<128x128xf32, #tpu.memory_space<hbm>>
    tpu.enqueue_dma source(%dma_start3A_47 : memref<128x128xf32, #tpu.memory_space<hbm>>) target(%dma_start3A_45 : memref<128x128xf32, #tpu.memory_space<vmem_shared>>) target_semaphore(%arg12 : memref<!tpu.dma_semaphore, #tpu.memory_space<semaphore_mem>>)
    %dma_wait3A = tpu.memref_slice %arg2[%select_n3A, %mul3A_32] : memref<4x2048xi32, #tpu.memory_space<hbm>> -> memref<1x256xi32, #tpu.memory_space<hbm>>
    %dma_wait3A_48 = tpu.memref_squeeze %dma_wait3A : memref<1x256xi32, #tpu.memory_space<hbm>> -> memref<256xi32, #tpu.memory_space<hbm>>
    %dma_wait3A_49 = tpu.memref_slice %arg2[%select_n3A, %mul3A_32] : memref<4x2048xi32, #tpu.memory_space<hbm>> -> memref<1x256xi32, #tpu.memory_space<hbm>>
    %dma_wait3A_50 = tpu.memref_squeeze %dma_wait3A_49 : memref<1x256xi32, #tpu.memory_space<hbm>> -> memref<256xi32, #tpu.memory_space<hbm>>
    tpu.wait_dma2 semaphore(%arg11 : memref<!tpu.dma_semaphore, #tpu.memory_space<semaphore_mem>>) src(%dma_wait3A_50 : memref<256xi32, #tpu.memory_space<hbm>>) dst(%arg7 : memref<256xi32, #tpu.memory_space<vmem>>)
    %dma_start3A_51 = arith.constant 0 : i32
    %dma_start3A_52 = arith.constant 0 : i32
    %dma_start3A_53 = tpu.memref_slice %arg9[%dma_start3A_51, %dma_start3A_52] : memref<256x128xf32, #tpu.memory_space<vmem>> -> memref<32x128xf32, #tpu.memory_space<vmem>>
    %dma_start3A_54 = arith.constant 0 : i32
    %dma_start3A_55 = tpu.memref_slice %arg7[%dma_start3A_54] : memref<256xi32, #tpu.memory_space<vmem>> -> memref<32xi32, #tpu.memory_space<vmem>>
    %dma_start3A_56 = arith.constant 0 : i32
    %dma_start3A_57 = arith.constant 0 : i32
    %dma_start3A_58 = tpu.memref_slice %arg4[%dma_start3A_56, %dma_start3A_57] : memref<100000x128xf32, #tpu.memory_space<hbm>> -> memref<100000x128xf32, #tpu.memory_space<hbm>>
    tpu.enqueue_indirect_dma source(%dma_start3A_58 : memref<100000x128xf32, #tpu.memory_space<hbm>>) target(%dma_start3A_53 : memref<32x128xf32, #tpu.memory_space<vmem>>) offsets(%dma_start3A_55 : memref<32xi32, #tpu.memory_space<vmem>>) semaphore(%arg14 : memref<!tpu.dma_semaphore, #tpu.memory_space<semaphore_mem>>)
    %dma_start3A_59 = arith.constant 32 : i32
    %dma_start3A_60 = arith.constant 0 : i32
    %dma_start3A_61 = tpu.memref_slice %arg9[%dma_start3A_59, %dma_start3A_60] : memref<256x128xf32, #tpu.memory_space<vmem>> -> memref<32x128xf32, #tpu.memory_space<vmem>>
    %dma_start3A_62 = arith.constant 32 : i32
    %dma_start3A_63 = tpu.memref_slice %arg7[%dma_start3A_62] : memref<256xi32, #tpu.memory_space<vmem>> -> memref<32xi32, #tpu.memory_space<vmem>>
    %dma_start3A_64 = arith.constant 0 : i32
    %dma_start3A_65 = arith.constant 0 : i32
    %dma_start3A_66 = tpu.memref_slice %arg4[%dma_start3A_64, %dma_start3A_65] : memref<100000x128xf32, #tpu.memory_space<hbm>> -> memref<100000x128xf32, #tpu.memory_space<hbm>>
    tpu.enqueue_indirect_dma source(%dma_start3A_66 : memref<100000x128xf32, #tpu.memory_space<hbm>>) target(%dma_start3A_61 : memref<32x128xf32, #tpu.memory_space<vmem>>) offsets(%dma_start3A_63 : memref<32xi32, #tpu.memory_space<vmem>>) semaphore(%arg15 : memref<!tpu.dma_semaphore, #tpu.memory_space<semaphore_mem>>)
    %dma_start3A_67 = arith.constant 64 : i32
    %dma_start3A_68 = arith.constant 0 : i32
    %dma_start3A_69 = tpu.memref_slice %arg9[%dma_start3A_67, %dma_start3A_68] : memref<256x128xf32, #tpu.memory_space<vmem>> -> memref<32x128xf32, #tpu.memory_space<vmem>>
    %dma_start3A_70 = arith.constant 64 : i32
    %dma_start3A_71 = tpu.memref_slice %arg7[%dma_start3A_70] : memref<256xi32, #tpu.memory_space<vmem>> -> memref<32xi32, #tpu.memory_space<vmem>>
    %dma_start3A_72 = arith.constant 0 : i32
    %dma_start3A_73 = arith.constant 0 : i32
    %dma_start3A_74 = tpu.memref_slice %arg4[%dma_start3A_72, %dma_start3A_73] : memref<100000x128xf32, #tpu.memory_space<hbm>> -> memref<100000x128xf32, #tpu.memory_space<hbm>>
    tpu.enqueue_indirect_dma source(%dma_start3A_74 : memref<100000x128xf32, #tpu.memory_space<hbm>>) target(%dma_start3A_69 : memref<32x128xf32, #tpu.memory_space<vmem>>) offsets(%dma_start3A_71 : memref<32xi32, #tpu.memory_space<vmem>>) semaphore(%arg16 : memref<!tpu.dma_semaphore, #tpu.memory_space<semaphore_mem>>)
    %dma_start3A_75 = arith.constant 96 : i32
    %dma_start3A_76 = arith.constant 0 : i32
    %dma_start3A_77 = tpu.memref_slice %arg9[%dma_start3A_75, %dma_start3A_76] : memref<256x128xf32, #tpu.memory_space<vmem>> -> memref<32x128xf32, #tpu.memory_space<vmem>>
    %dma_start3A_78 = arith.constant 96 : i32
    %dma_start3A_79 = tpu.memref_slice %arg7[%dma_start3A_78] : memref<256xi32, #tpu.memory_space<vmem>> -> memref<32xi32, #tpu.memory_space<vmem>>
    %dma_start3A_80 = arith.constant 0 : i32
    %dma_start3A_81 = arith.constant 0 : i32
    %dma_start3A_82 = tpu.memref_slice %arg4[%dma_start3A_80, %dma_start3A_81] : memref<100000x128xf32, #tpu.memory_space<hbm>> -> memref<100000x128xf32, #tpu.memory_space<hbm>>
    tpu.enqueue_indirect_dma source(%dma_start3A_82 : memref<100000x128xf32, #tpu.memory_space<hbm>>) target(%dma_start3A_77 : memref<32x128xf32, #tpu.memory_space<vmem>>) offsets(%dma_start3A_79 : memref<32xi32, #tpu.memory_space<vmem>>) semaphore(%arg17 : memref<!tpu.dma_semaphore, #tpu.memory_space<semaphore_mem>>)
    %dma_start3A_83 = arith.constant 128 : i32
    %dma_start3A_84 = arith.constant 0 : i32
    %dma_start3A_85 = tpu.memref_slice %arg9[%dma_start3A_83, %dma_start3A_84] : memref<256x128xf32, #tpu.memory_space<vmem>> -> memref<32x128xf32, #tpu.memory_space<vmem>>
    %dma_start3A_86 = arith.constant 128 : i32
    %dma_start3A_87 = tpu.memref_slice %arg7[%dma_start3A_86] : memref<256xi32, #tpu.memory_space<vmem>> -> memref<32xi32, #tpu.memory_space<vmem>>
    %dma_start3A_88 = arith.constant 0 : i32
    %dma_start3A_89 = arith.constant 0 : i32
    %dma_start3A_90 = tpu.memref_slice %arg4[%dma_start3A_88, %dma_start3A_89] : memref<100000x128xf32, #tpu.memory_space<hbm>> -> memref<100000x128xf32, #tpu.memory_space<hbm>>
    tpu.enqueue_indirect_dma source(%dma_start3A_90 : memref<100000x128xf32, #tpu.memory_space<hbm>>) target(%dma_start3A_85 : memref<32x128xf32, #tpu.memory_space<vmem>>) offsets(%dma_start3A_87 : memref<32xi32, #tpu.memory_space<vmem>>) semaphore(%arg18 : memref<!tpu.dma_semaphore, #tpu.memory_space<semaphore_mem>>)
    %dma_start3A_91 = arith.constant 160 : i32
    %dma_start3A_92 = arith.constant 0 : i32
    %dma_start3A_93 = tpu.memref_slice %arg9[%dma_start3A_91, %dma_start3A_92] : memref<256x128xf32, #tpu.memory_space<vmem>> -> memref<32x128xf32, #tpu.memory_space<vmem>>
    %dma_start3A_94 = arith.constant 160 : i32
    %dma_start3A_95 = tpu.memref_slice %arg7[%dma_start3A_94] : memref<256xi32, #tpu.memory_space<vmem>> -> memref<32xi32, #tpu.memory_space<vmem>>
    %dma_start3A_96 = arith.constant 0 : i32
    %dma_start3A_97 = arith.constant 0 : i32
    %dma_start3A_98 = tpu.memref_slice %arg4[%dma_start3A_96, %dma_start3A_97] : memref<100000x128xf32, #tpu.memory_space<hbm>> -> memref<100000x128xf32, #tpu.memory_space<hbm>>
    tpu.enqueue_indirect_dma source(%dma_start3A_98 : memref<100000x128xf32, #tpu.memory_space<hbm>>) target(%dma_start3A_93 : memref<32x128xf32, #tpu.memory_space<vmem>>) offsets(%dma_start3A_95 : memref<32xi32, #tpu.memory_space<vmem>>) semaphore(%arg19 : memref<!tpu.dma_semaphore, #tpu.memory_space<semaphore_mem>>)
    %dma_start3A_99 = arith.constant 192 : i32
    %dma_start3A_100 = arith.constant 0 : i32
    %dma_start3A_101 = tpu.memref_slice %arg9[%dma_start3A_99, %dma_start3A_100] : memref<256x128xf32, #tpu.memory_space<vmem>> -> memref<32x128xf32, #tpu.memory_space<vmem>>
    %dma_start3A_102 = arith.constant 192 : i32
    %dma_start3A_103 = tpu.memref_slice %arg7[%dma_start3A_102] : memref<256xi32, #tpu.memory_space<vmem>> -> memref<32xi32, #tpu.memory_space<vmem>>
    %dma_start3A_104 = arith.constant 0 : i32
    %dma_start3A_105 = arith.constant 0 : i32
    %dma_start3A_106 = tpu.memref_slice %arg4[%dma_start3A_104, %dma_start3A_105] : memref<100000x128xf32, #tpu.memory_space<hbm>> -> memref<100000x128xf32, #tpu.memory_space<hbm>>
    tpu.enqueue_indirect_dma source(%dma_start3A_106 : memref<100000x128xf32, #tpu.memory_space<hbm>>) target(%dma_start3A_101 : memref<32x128xf32, #tpu.memory_space<vmem>>) offsets(%dma_start3A_103 : memref<32xi32, #tpu.memory_space<vmem>>) semaphore(%arg20 : memref<!tpu.dma_semaphore, #tpu.memory_space<semaphore_mem>>)
    %dma_start3A_107 = arith.constant 224 : i32
    %dma_start3A_108 = arith.constant 0 : i32
    %dma_start3A_109 = tpu.memref_slice %arg9[%dma_start3A_107, %dma_start3A_108] : memref<256x128xf32, #tpu.memory_space<vmem>> -> memref<32x128xf32, #tpu.memory_space<vmem>>
    %dma_start3A_110 = arith.constant 224 : i32
    %dma_start3A_111 = tpu.memref_slice %arg7[%dma_start3A_110] : memref<256xi32, #tpu.memory_space<vmem>> -> memref<32xi32, #tpu.memory_space<vmem>>
    %dma_start3A_112 = arith.constant 0 : i32
    %dma_start3A_113 = arith.constant 0 : i32
    %dma_start3A_114 = tpu.memref_slice %arg4[%dma_start3A_112, %dma_start3A_113] : memref<100000x128xf32, #tpu.memory_space<hbm>> -> memref<100000x128xf32, #tpu.memory_space<hbm>>
    tpu.enqueue_indirect_dma source(%dma_start3A_114 : memref<100000x128xf32, #tpu.memory_space<hbm>>) target(%dma_start3A_109 : memref<32x128xf32, #tpu.memory_space<vmem>>) offsets(%dma_start3A_111 : memref<32xi32, #tpu.memory_space<vmem>>) semaphore(%arg21 : memref<!tpu.dma_semaphore, #tpu.memory_space<semaphore_mem>>)
    %dma_wait3A_115 = tpu.memref_slice %arg3[%select_n3A, %mul3A_32] : memref<4x2048xi32, #tpu.memory_space<hbm>> -> memref<1x256xi32, #tpu.memory_space<hbm>>
    %dma_wait3A_116 = tpu.memref_squeeze %dma_wait3A_115 : memref<1x256xi32, #tpu.memory_space<hbm>> -> memref<256xi32, #tpu.memory_space<hbm>>
    %dma_wait3A_117 = tpu.memref_slice %arg3[%select_n3A, %mul3A_32] : memref<4x2048xi32, #tpu.memory_space<hbm>> -> memref<1x256xi32, #tpu.memory_space<hbm>>
    %dma_wait3A_118 = tpu.memref_squeeze %dma_wait3A_117 : memref<1x256xi32, #tpu.memory_space<hbm>> -> memref<256xi32, #tpu.memory_space<hbm>>
    tpu.wait_dma2 semaphore(%arg11 : memref<!tpu.dma_semaphore, #tpu.memory_space<semaphore_mem>>) src(%dma_wait3A_118 : memref<256xi32, #tpu.memory_space<hbm>>) dst(%arg8 : memref<256xi32, #tpu.memory_space<vmem>>)
    %dma_wait3A_119 = arith.constant 0 : i32
    %dma_wait3A_120 = tpu.memref_slice %arg10[%mul3A_43, %dma_wait3A_119] : memref<2048x128xf32, #tpu.memory_space<vmem_shared>> -> memref<128x128xf32, #tpu.memory_space<vmem_shared>>
    %dma_wait3A_121 = arith.constant 0 : i32
    %dma_wait3A_122 = tpu.memref_slice %arg5[%mul3A_41, %dma_wait3A_121] : memref<2048x128xf32, #tpu.memory_space<hbm>> -> memref<128x128xf32, #tpu.memory_space<hbm>>
    tpu.wait_dma2 semaphore(%arg12 : memref<!tpu.dma_semaphore, #tpu.memory_space<semaphore_mem>>) src(%dma_wait3A_122 : memref<128x128xf32, #tpu.memory_space<hbm>>) dst(%dma_wait3A_120 : memref<128x128xf32, #tpu.memory_space<vmem_shared>>)
    %barrier3A = arith.constant 0 : index
    tpu.barrier barrier_id(%barrier3A)
    %dma_wait3A_123 = arith.constant 0 : i32
    %dma_wait3A_124 = arith.constant 0 : i32
    %dma_wait3A_125 = tpu.memref_slice %arg9[%dma_wait3A_123, %dma_wait3A_124] : memref<256x128xf32, #tpu.memory_space<vmem>> -> memref<32x128xf32, #tpu.memory_space<vmem>>
    %dma_wait3A_126 = arith.constant 0 : i32
    %dma_wait3A_127 = tpu.memref_slice %arg7[%dma_wait3A_126] : memref<256xi32, #tpu.memory_space<vmem>> -> memref<32xi32, #tpu.memory_space<vmem>>
    %dma_wait3A_128 = arith.constant 0 : i32
    %dma_wait3A_129 = arith.constant 0 : i32
    %dma_wait3A_130 = tpu.memref_slice %arg4[%dma_wait3A_128, %dma_wait3A_129] : memref<100000x128xf32, #tpu.memory_space<hbm>> -> memref<100000x128xf32, #tpu.memory_space<hbm>>
    tpu.wait_indirect_dma semaphore(%arg14 : memref<!tpu.dma_semaphore, #tpu.memory_space<semaphore_mem>>) src(%dma_wait3A_130 : memref<100000x128xf32, #tpu.memory_space<hbm>>) dst(%dma_wait3A_125 : memref<32x128xf32, #tpu.memory_space<vmem>>)
    %dma_start3A_131 = arith.constant 0 : i32
    %dma_start3A_132 = arith.constant 0 : i32
    %dma_start3A_133 = tpu.memref_slice %arg9[%dma_start3A_131, %dma_start3A_132] : memref<256x128xf32, #tpu.memory_space<vmem>> -> memref<32x128xf32, #tpu.memory_space<vmem>>
    %dma_start3A_134 = arith.constant 0 : i32
    %dma_start3A_135 = tpu.memref_slice %arg8[%dma_start3A_134] : memref<256xi32, #tpu.memory_space<vmem>> -> memref<32xi32, #tpu.memory_space<vmem>>
    %dma_start3A_136 = arith.constant 0 : i32
    %dma_start3A_137 = arith.constant 0 : i32
    %dma_start3A_138 = tpu.memref_slice %arg10[%dma_start3A_136, %dma_start3A_137] : memref<2048x128xf32, #tpu.memory_space<vmem_shared>> -> memref<2048x128xf32, #tpu.memory_space<vmem_shared>>
    tpu.enqueue_indirect_dma source(%dma_start3A_138 : memref<2048x128xf32, #tpu.memory_space<vmem_shared>>) target(%dma_start3A_133 : memref<32x128xf32, #tpu.memory_space<vmem>>) offsets(%dma_start3A_135 : memref<32xi32, #tpu.memory_space<vmem>>) semaphore(%arg22 : memref<!tpu.dma_semaphore, #tpu.memory_space<semaphore_mem>>) {add = true}
    %dma_wait3A_139 = arith.constant 32 : i32
    %dma_wait3A_140 = arith.constant 0 : i32
    %dma_wait3A_141 = tpu.memref_slice %arg9[%dma_wait3A_139, %dma_wait3A_140] : memref<256x128xf32, #tpu.memory_space<vmem>> -> memref<32x128xf32, #tpu.memory_space<vmem>>
    %dma_wait3A_142 = arith.constant 32 : i32
    %dma_wait3A_143 = tpu.memref_slice %arg7[%dma_wait3A_142] : memref<256xi32, #tpu.memory_space<vmem>> -> memref<32xi32, #tpu.memory_space<vmem>>
    %dma_wait3A_144 = arith.constant 0 : i32
    %dma_wait3A_145 = arith.constant 0 : i32
    %dma_wait3A_146 = tpu.memref_slice %arg4[%dma_wait3A_144, %dma_wait3A_145] : memref<100000x128xf32, #tpu.memory_space<hbm>> -> memref<100000x128xf32, #tpu.memory_space<hbm>>
    tpu.wait_indirect_dma semaphore(%arg15 : memref<!tpu.dma_semaphore, #tpu.memory_space<semaphore_mem>>) src(%dma_wait3A_146 : memref<100000x128xf32, #tpu.memory_space<hbm>>) dst(%dma_wait3A_141 : memref<32x128xf32, #tpu.memory_space<vmem>>)
    %dma_start3A_147 = arith.constant 32 : i32
    %dma_start3A_148 = arith.constant 0 : i32
    %dma_start3A_149 = tpu.memref_slice %arg9[%dma_start3A_147, %dma_start3A_148] : memref<256x128xf32, #tpu.memory_space<vmem>> -> memref<32x128xf32, #tpu.memory_space<vmem>>
    %dma_start3A_150 = arith.constant 32 : i32
    %dma_start3A_151 = tpu.memref_slice %arg8[%dma_start3A_150] : memref<256xi32, #tpu.memory_space<vmem>> -> memref<32xi32, #tpu.memory_space<vmem>>
    %dma_start3A_152 = arith.constant 0 : i32
    %dma_start3A_153 = arith.constant 0 : i32
    %dma_start3A_154 = tpu.memref_slice %arg10[%dma_start3A_152, %dma_start3A_153] : memref<2048x128xf32, #tpu.memory_space<vmem_shared>> -> memref<2048x128xf32, #tpu.memory_space<vmem_shared>>
    tpu.enqueue_indirect_dma source(%dma_start3A_154 : memref<2048x128xf32, #tpu.memory_space<vmem_shared>>) target(%dma_start3A_149 : memref<32x128xf32, #tpu.memory_space<vmem>>) offsets(%dma_start3A_151 : memref<32xi32, #tpu.memory_space<vmem>>) semaphore(%arg23 : memref<!tpu.dma_semaphore, #tpu.memory_space<semaphore_mem>>) {add = true}
    %dma_wait3A_155 = arith.constant 0 : i32
    %dma_wait3A_156 = arith.constant 0 : i32
    %dma_wait3A_157 = tpu.memref_slice %arg9[%dma_wait3A_155, %dma_wait3A_156] : memref<256x128xf32, #tpu.memory_space<vmem>> -> memref<32x128xf32, #tpu.memory_space<vmem>>
    %dma_wait3A_158 = arith.constant 0 : i32
    %dma_wait3A_159 = tpu.memref_slice %arg8[%dma_wait3A_158] : memref<256xi32, #tpu.memory_space<vmem>> -> memref<32xi32, #tpu.memory_space<vmem>>
    %dma_wait3A_160 = arith.constant 0 : i32
    %dma_wait3A_161 = arith.constant 0 : i32
    %dma_wait3A_162 = tpu.memref_slice %arg10[%dma_wait3A_160, %dma_wait3A_161] : memref<2048x128xf32, #tpu.memory_space<vmem_shared>> -> memref<2048x128xf32, #tpu.memory_space<vmem_shared>>
    tpu.wait_indirect_dma semaphore(%arg22 : memref<!tpu.dma_semaphore, #tpu.memory_space<semaphore_mem>>) src(%dma_wait3A_162 : memref<2048x128xf32, #tpu.memory_space<vmem_shared>>) dst(%dma_wait3A_157 : memref<32x128xf32, #tpu.memory_space<vmem>>)
    %add3A_163 = arith.constant 0 : i32
    %add3A_164 = arith.addi %mul3A_32, %add3A_163 : i32
    %dma_start3A_165 = arith.constant 0 : i32
    %dma_start3A_166 = arith.constant 0 : i32
    %dma_start3A_167 = tpu.memref_slice %arg9[%dma_start3A_165, %dma_start3A_166] : memref<256x128xf32, #tpu.memory_space<vmem>> -> memref<32x128xf32, #tpu.memory_space<vmem>>
    %dma_start3A_168 = arith.constant 0 : i32
    %dma_start3A_169 = tpu.memref_slice %arg6[%select_n3A, %add3A_164, %dma_start3A_168] : memref<4x2048x128xf32, #tpu.memory_space<hbm>> -> memref<1x32x128xf32, #tpu.memory_space<hbm>>
    %dma_start3A_170 = tpu.memref_squeeze %dma_start3A_169 : memref<1x32x128xf32, #tpu.memory_space<hbm>> -> memref<32x128xf32, #tpu.memory_space<hbm>>
    %dma_start3A_171 = arith.constant 0 : i32
    %dma_start3A_172 = tpu.memref_slice %arg6[%select_n3A, %add3A_164, %dma_start3A_171] : memref<4x2048x128xf32, #tpu.memory_space<hbm>> -> memref<1x32x128xf32, #tpu.memory_space<hbm>>
    %dma_start3A_173 = tpu.memref_squeeze %dma_start3A_172 : memref<1x32x128xf32, #tpu.memory_space<hbm>> -> memref<32x128xf32, #tpu.memory_space<hbm>>
    %dma_start3A_174 = arith.constant 0 : i32
    %dma_start3A_175 = arith.constant 0 : i32
    %dma_start3A_176 = tpu.memref_slice %arg9[%dma_start3A_174, %dma_start3A_175] : memref<256x128xf32, #tpu.memory_space<vmem>> -> memref<32x128xf32, #tpu.memory_space<vmem>>
    tpu.enqueue_dma source(%dma_start3A_176 : memref<32x128xf32, #tpu.memory_space<vmem>>) target(%dma_start3A_173 : memref<32x128xf32, #tpu.memory_space<hbm>>) target_semaphore(%arg13 : memref<!tpu.dma_semaphore, #tpu.memory_space<semaphore_mem>>)
    %dma_wait3A_177 = arith.constant 64 : i32
    %dma_wait3A_178 = arith.constant 0 : i32
    %dma_wait3A_179 = tpu.memref_slice %arg9[%dma_wait3A_177, %dma_wait3A_178] : memref<256x128xf32, #tpu.memory_space<vmem>> -> memref<32x128xf32, #tpu.memory_space<vmem>>
    %dma_wait3A_180 = arith.constant 64 : i32
    %dma_wait3A_181 = tpu.memref_slice %arg7[%dma_wait3A_180] : memref<256xi32, #tpu.memory_space<vmem>> -> memref<32xi32, #tpu.memory_space<vmem>>
    %dma_wait3A_182 = arith.constant 0 : i32
    %dma_wait3A_183 = arith.constant 0 : i32
    %dma_wait3A_184 = tpu.memref_slice %arg4[%dma_wait3A_182, %dma_wait3A_183] : memref<100000x128xf32, #tpu.memory_space<hbm>> -> memref<100000x128xf32, #tpu.memory_space<hbm>>
    tpu.wait_indirect_dma semaphore(%arg16 : memref<!tpu.dma_semaphore, #tpu.memory_space<semaphore_mem>>) src(%dma_wait3A_184 : memref<100000x128xf32, #tpu.memory_space<hbm>>) dst(%dma_wait3A_179 : memref<32x128xf32, #tpu.memory_space<vmem>>)
    %dma_start3A_185 = arith.constant 64 : i32
    %dma_start3A_186 = arith.constant 0 : i32
    %dma_start3A_187 = tpu.memref_slice %arg9[%dma_start3A_185, %dma_start3A_186] : memref<256x128xf32, #tpu.memory_space<vmem>> -> memref<32x128xf32, #tpu.memory_space<vmem>>
    %dma_start3A_188 = arith.constant 64 : i32
    %dma_start3A_189 = tpu.memref_slice %arg8[%dma_start3A_188] : memref<256xi32, #tpu.memory_space<vmem>> -> memref<32xi32, #tpu.memory_space<vmem>>
    %dma_start3A_190 = arith.constant 0 : i32
    %dma_start3A_191 = arith.constant 0 : i32
    %dma_start3A_192 = tpu.memref_slice %arg10[%dma_start3A_190, %dma_start3A_191] : memref<2048x128xf32, #tpu.memory_space<vmem_shared>> -> memref<2048x128xf32, #tpu.memory_space<vmem_shared>>
    tpu.enqueue_indirect_dma source(%dma_start3A_192 : memref<2048x128xf32, #tpu.memory_space<vmem_shared>>) target(%dma_start3A_187 : memref<32x128xf32, #tpu.memory_space<vmem>>) offsets(%dma_start3A_189 : memref<32xi32, #tpu.memory_space<vmem>>) semaphore(%arg24 : memref<!tpu.dma_semaphore, #tpu.memory_space<semaphore_mem>>) {add = true}
    %dma_wait3A_193 = arith.constant 32 : i32
    %dma_wait3A_194 = arith.constant 0 : i32
    %dma_wait3A_195 = tpu.memref_slice %arg9[%dma_wait3A_193, %dma_wait3A_194] : memref<256x128xf32, #tpu.memory_space<vmem>> -> memref<32x128xf32, #tpu.memory_space<vmem>>
    %dma_wait3A_196 = arith.constant 32 : i32
    %dma_wait3A_197 = tpu.memref_slice %arg8[%dma_wait3A_196] : memref<256xi32, #tpu.memory_space<vmem>> -> memref<32xi32, #tpu.memory_space<vmem>>
    %dma_wait3A_198 = arith.constant 0 : i32
    %dma_wait3A_199 = arith.constant 0 : i32
    %dma_wait3A_200 = tpu.memref_slice %arg10[%dma_wait3A_198, %dma_wait3A_199] : memref<2048x128xf32, #tpu.memory_space<vmem_shared>> -> memref<2048x128xf32, #tpu.memory_space<vmem_shared>>
    tpu.wait_indirect_dma semaphore(%arg23 : memref<!tpu.dma_semaphore, #tpu.memory_space<semaphore_mem>>) src(%dma_wait3A_200 : memref<2048x128xf32, #tpu.memory_space<vmem_shared>>) dst(%dma_wait3A_195 : memref<32x128xf32, #tpu.memory_space<vmem>>)
    %add3A_201 = arith.constant 32 : i32
    %add3A_202 = arith.addi %mul3A_32, %add3A_201 : i32
    %dma_start3A_203 = arith.constant 32 : i32
    %dma_start3A_204 = arith.constant 0 : i32
    %dma_start3A_205 = tpu.memref_slice %arg9[%dma_start3A_203, %dma_start3A_204] : memref<256x128xf32, #tpu.memory_space<vmem>> -> memref<32x128xf32, #tpu.memory_space<vmem>>
    %dma_start3A_206 = arith.constant 0 : i32
    %dma_start3A_207 = tpu.memref_slice %arg6[%select_n3A, %add3A_202, %dma_start3A_206] : memref<4x2048x128xf32, #tpu.memory_space<hbm>> -> memref<1x32x128xf32, #tpu.memory_space<hbm>>
    %dma_start3A_208 = tpu.memref_squeeze %dma_start3A_207 : memref<1x32x128xf32, #tpu.memory_space<hbm>> -> memref<32x128xf32, #tpu.memory_space<hbm>>
    %dma_start3A_209 = arith.constant 0 : i32
    %dma_start3A_210 = tpu.memref_slice %arg6[%select_n3A, %add3A_202, %dma_start3A_209] : memref<4x2048x128xf32, #tpu.memory_space<hbm>> -> memref<1x32x128xf32, #tpu.memory_space<hbm>>
    %dma_start3A_211 = tpu.memref_squeeze %dma_start3A_210 : memref<1x32x128xf32, #tpu.memory_space<hbm>> -> memref<32x128xf32, #tpu.memory_space<hbm>>
    %dma_start3A_212 = arith.constant 32 : i32
    %dma_start3A_213 = arith.constant 0 : i32
    %dma_start3A_214 = tpu.memref_slice %arg9[%dma_start3A_212, %dma_start3A_213] : memref<256x128xf32, #tpu.memory_space<vmem>> -> memref<32x128xf32, #tpu.memory_space<vmem>>
    tpu.enqueue_dma source(%dma_start3A_214 : memref<32x128xf32, #tpu.memory_space<vmem>>) target(%dma_start3A_211 : memref<32x128xf32, #tpu.memory_space<hbm>>) target_semaphore(%arg13 : memref<!tpu.dma_semaphore, #tpu.memory_space<semaphore_mem>>)
    %dma_wait3A_215 = arith.constant 96 : i32
    %dma_wait3A_216 = arith.constant 0 : i32
    %dma_wait3A_217 = tpu.memref_slice %arg9[%dma_wait3A_215, %dma_wait3A_216] : memref<256x128xf32, #tpu.memory_space<vmem>> -> memref<32x128xf32, #tpu.memory_space<vmem>>
    %dma_wait3A_218 = arith.constant 96 : i32
    %dma_wait3A_219 = tpu.memref_slice %arg7[%dma_wait3A_218] : memref<256xi32, #tpu.memory_space<vmem>> -> memref<32xi32, #tpu.memory_space<vmem>>
    %dma_wait3A_220 = arith.constant 0 : i32
    %dma_wait3A_221 = arith.constant 0 : i32
    %dma_wait3A_222 = tpu.memref_slice %arg4[%dma_wait3A_220, %dma_wait3A_221] : memref<100000x128xf32, #tpu.memory_space<hbm>> -> memref<100000x128xf32, #tpu.memory_space<hbm>>
    tpu.wait_indirect_dma semaphore(%arg17 : memref<!tpu.dma_semaphore, #tpu.memory_space<semaphore_mem>>) src(%dma_wait3A_222 : memref<100000x128xf32, #tpu.memory_space<hbm>>) dst(%dma_wait3A_217 : memref<32x128xf32, #tpu.memory_space<vmem>>)
    %dma_start3A_223 = arith.constant 96 : i32
    %dma_start3A_224 = arith.constant 0 : i32
    %dma_start3A_225 = tpu.memref_slice %arg9[%dma_start3A_223, %dma_start3A_224] : memref<256x128xf32, #tpu.memory_space<vmem>> -> memref<32x128xf32, #tpu.memory_space<vmem>>
    %dma_start3A_226 = arith.constant 96 : i32
    %dma_start3A_227 = tpu.memref_slice %arg8[%dma_start3A_226] : memref<256xi32, #tpu.memory_space<vmem>> -> memref<32xi32, #tpu.memory_space<vmem>>
    %dma_start3A_228 = arith.constant 0 : i32
    %dma_start3A_229 = arith.constant 0 : i32
    %dma_start3A_230 = tpu.memref_slice %arg10[%dma_start3A_228, %dma_start3A_229] : memref<2048x128xf32, #tpu.memory_space<vmem_shared>> -> memref<2048x128xf32, #tpu.memory_space<vmem_shared>>
    tpu.enqueue_indirect_dma source(%dma_start3A_230 : memref<2048x128xf32, #tpu.memory_space<vmem_shared>>) target(%dma_start3A_225 : memref<32x128xf32, #tpu.memory_space<vmem>>) offsets(%dma_start3A_227 : memref<32xi32, #tpu.memory_space<vmem>>) semaphore(%arg25 : memref<!tpu.dma_semaphore, #tpu.memory_space<semaphore_mem>>) {add = true}
    %dma_wait3A_231 = arith.constant 64 : i32
    %dma_wait3A_232 = arith.constant 0 : i32
    %dma_wait3A_233 = tpu.memref_slice %arg9[%dma_wait3A_231, %dma_wait3A_232] : memref<256x128xf32, #tpu.memory_space<vmem>> -> memref<32x128xf32, #tpu.memory_space<vmem>>
    %dma_wait3A_234 = arith.constant 64 : i32
    %dma_wait3A_235 = tpu.memref_slice %arg8[%dma_wait3A_234] : memref<256xi32, #tpu.memory_space<vmem>> -> memref<32xi32, #tpu.memory_space<vmem>>
    %dma_wait3A_236 = arith.constant 0 : i32
    %dma_wait3A_237 = arith.constant 0 : i32
    %dma_wait3A_238 = tpu.memref_slice %arg10[%dma_wait3A_236, %dma_wait3A_237] : memref<2048x128xf32, #tpu.memory_space<vmem_shared>> -> memref<2048x128xf32, #tpu.memory_space<vmem_shared>>
    tpu.wait_indirect_dma semaphore(%arg24 : memref<!tpu.dma_semaphore, #tpu.memory_space<semaphore_mem>>) src(%dma_wait3A_238 : memref<2048x128xf32, #tpu.memory_space<vmem_shared>>) dst(%dma_wait3A_233 : memref<32x128xf32, #tpu.memory_space<vmem>>)
    %add3A_239 = arith.constant 64 : i32
    %add3A_240 = arith.addi %mul3A_32, %add3A_239 : i32
    %dma_start3A_241 = arith.constant 64 : i32
    %dma_start3A_242 = arith.constant 0 : i32
    %dma_start3A_243 = tpu.memref_slice %arg9[%dma_start3A_241, %dma_start3A_242] : memref<256x128xf32, #tpu.memory_space<vmem>> -> memref<32x128xf32, #tpu.memory_space<vmem>>
    %dma_start3A_244 = arith.constant 0 : i32
    %dma_start3A_245 = tpu.memref_slice %arg6[%select_n3A, %add3A_240, %dma_start3A_244] : memref<4x2048x128xf32, #tpu.memory_space<hbm>> -> memref<1x32x128xf32, #tpu.memory_space<hbm>>
    %dma_start3A_246 = tpu.memref_squeeze %dma_start3A_245 : memref<1x32x128xf32, #tpu.memory_space<hbm>> -> memref<32x128xf32, #tpu.memory_space<hbm>>
    %dma_start3A_247 = arith.constant 0 : i32
    %dma_start3A_248 = tpu.memref_slice %arg6[%select_n3A, %add3A_240, %dma_start3A_247] : memref<4x2048x128xf32, #tpu.memory_space<hbm>> -> memref<1x32x128xf32, #tpu.memory_space<hbm>>
    %dma_start3A_249 = tpu.memref_squeeze %dma_start3A_248 : memref<1x32x128xf32, #tpu.memory_space<hbm>> -> memref<32x128xf32, #tpu.memory_space<hbm>>
    %dma_start3A_250 = arith.constant 64 : i32
    %dma_start3A_251 = arith.constant 0 : i32
    %dma_start3A_252 = tpu.memref_slice %arg9[%dma_start3A_250, %dma_start3A_251] : memref<256x128xf32, #tpu.memory_space<vmem>> -> memref<32x128xf32, #tpu.memory_space<vmem>>
    tpu.enqueue_dma source(%dma_start3A_252 : memref<32x128xf32, #tpu.memory_space<vmem>>) target(%dma_start3A_249 : memref<32x128xf32, #tpu.memory_space<hbm>>) target_semaphore(%arg13 : memref<!tpu.dma_semaphore, #tpu.memory_space<semaphore_mem>>)
    %dma_wait3A_253 = arith.constant 128 : i32
    %dma_wait3A_254 = arith.constant 0 : i32
    %dma_wait3A_255 = tpu.memref_slice %arg9[%dma_wait3A_253, %dma_wait3A_254] : memref<256x128xf32, #tpu.memory_space<vmem>> -> memref<32x128xf32, #tpu.memory_space<vmem>>
    %dma_wait3A_256 = arith.constant 128 : i32
    %dma_wait3A_257 = tpu.memref_slice %arg7[%dma_wait3A_256] : memref<256xi32, #tpu.memory_space<vmem>> -> memref<32xi32, #tpu.memory_space<vmem>>
    %dma_wait3A_258 = arith.constant 0 : i32
    %dma_wait3A_259 = arith.constant 0 : i32
    %dma_wait3A_260 = tpu.memref_slice %arg4[%dma_wait3A_258, %dma_wait3A_259] : memref<100000x128xf32, #tpu.memory_space<hbm>> -> memref<100000x128xf32, #tpu.memory_space<hbm>>
    tpu.wait_indirect_dma semaphore(%arg18 : memref<!tpu.dma_semaphore, #tpu.memory_space<semaphore_mem>>) src(%dma_wait3A_260 : memref<100000x128xf32, #tpu.memory_space<hbm>>) dst(%dma_wait3A_255 : memref<32x128xf32, #tpu.memory_space<vmem>>)
    %dma_start3A_261 = arith.constant 128 : i32
    %dma_start3A_262 = arith.constant 0 : i32
    %dma_start3A_263 = tpu.memref_slice %arg9[%dma_start3A_261, %dma_start3A_262] : memref<256x128xf32, #tpu.memory_space<vmem>> -> memref<32x128xf32, #tpu.memory_space<vmem>>
    %dma_start3A_264 = arith.constant 128 : i32
    %dma_start3A_265 = tpu.memref_slice %arg8[%dma_start3A_264] : memref<256xi32, #tpu.memory_space<vmem>> -> memref<32xi32, #tpu.memory_space<vmem>>
    %dma_start3A_266 = arith.constant 0 : i32
    %dma_start3A_267 = arith.constant 0 : i32
    %dma_start3A_268 = tpu.memref_slice %arg10[%dma_start3A_266, %dma_start3A_267] : memref<2048x128xf32, #tpu.memory_space<vmem_shared>> -> memref<2048x128xf32, #tpu.memory_space<vmem_shared>>
    tpu.enqueue_indirect_dma source(%dma_start3A_268 : memref<2048x128xf32, #tpu.memory_space<vmem_shared>>) target(%dma_start3A_263 : memref<32x128xf32, #tpu.memory_space<vmem>>) offsets(%dma_start3A_265 : memref<32xi32, #tpu.memory_space<vmem>>) semaphore(%arg26 : memref<!tpu.dma_semaphore, #tpu.memory_space<semaphore_mem>>) {add = true}
    %dma_wait3A_269 = arith.constant 96 : i32
    %dma_wait3A_270 = arith.constant 0 : i32
    %dma_wait3A_271 = tpu.memref_slice %arg9[%dma_wait3A_269, %dma_wait3A_270] : memref<256x128xf32, #tpu.memory_space<vmem>> -> memref<32x128xf32, #tpu.memory_space<vmem>>
    %dma_wait3A_272 = arith.constant 96 : i32
    %dma_wait3A_273 = tpu.memref_slice %arg8[%dma_wait3A_272] : memref<256xi32, #tpu.memory_space<vmem>> -> memref<32xi32, #tpu.memory_space<vmem>>
    %dma_wait3A_274 = arith.constant 0 : i32
    %dma_wait3A_275 = arith.constant 0 : i32
    %dma_wait3A_276 = tpu.memref_slice %arg10[%dma_wait3A_274, %dma_wait3A_275] : memref<2048x128xf32, #tpu.memory_space<vmem_shared>> -> memref<2048x128xf32, #tpu.memory_space<vmem_shared>>
    tpu.wait_indirect_dma semaphore(%arg25 : memref<!tpu.dma_semaphore, #tpu.memory_space<semaphore_mem>>) src(%dma_wait3A_276 : memref<2048x128xf32, #tpu.memory_space<vmem_shared>>) dst(%dma_wait3A_271 : memref<32x128xf32, #tpu.memory_space<vmem>>)
    %add3A_277 = arith.constant 96 : i32
    %add3A_278 = arith.addi %mul3A_32, %add3A_277 : i32
    %dma_start3A_279 = arith.constant 96 : i32
    %dma_start3A_280 = arith.constant 0 : i32
    %dma_start3A_281 = tpu.memref_slice %arg9[%dma_start3A_279, %dma_start3A_280] : memref<256x128xf32, #tpu.memory_space<vmem>> -> memref<32x128xf32, #tpu.memory_space<vmem>>
    %dma_start3A_282 = arith.constant 0 : i32
    %dma_start3A_283 = tpu.memref_slice %arg6[%select_n3A, %add3A_278, %dma_start3A_282] : memref<4x2048x128xf32, #tpu.memory_space<hbm>> -> memref<1x32x128xf32, #tpu.memory_space<hbm>>
    %dma_start3A_284 = tpu.memref_squeeze %dma_start3A_283 : memref<1x32x128xf32, #tpu.memory_space<hbm>> -> memref<32x128xf32, #tpu.memory_space<hbm>>
    %dma_start3A_285 = arith.constant 0 : i32
    %dma_start3A_286 = tpu.memref_slice %arg6[%select_n3A, %add3A_278, %dma_start3A_285] : memref<4x2048x128xf32, #tpu.memory_space<hbm>> -> memref<1x32x128xf32, #tpu.memory_space<hbm>>
    %dma_start3A_287 = tpu.memref_squeeze %dma_start3A_286 : memref<1x32x128xf32, #tpu.memory_space<hbm>> -> memref<32x128xf32, #tpu.memory_space<hbm>>
    %dma_start3A_288 = arith.constant 96 : i32
    %dma_start3A_289 = arith.constant 0 : i32
    %dma_start3A_290 = tpu.memref_slice %arg9[%dma_start3A_288, %dma_start3A_289] : memref<256x128xf32, #tpu.memory_space<vmem>> -> memref<32x128xf32, #tpu.memory_space<vmem>>
    tpu.enqueue_dma source(%dma_start3A_290 : memref<32x128xf32, #tpu.memory_space<vmem>>) target(%dma_start3A_287 : memref<32x128xf32, #tpu.memory_space<hbm>>) target_semaphore(%arg13 : memref<!tpu.dma_semaphore, #tpu.memory_space<semaphore_mem>>)
    %dma_wait3A_291 = arith.constant 160 : i32
    %dma_wait3A_292 = arith.constant 0 : i32
    %dma_wait3A_293 = tpu.memref_slice %arg9[%dma_wait3A_291, %dma_wait3A_292] : memref<256x128xf32, #tpu.memory_space<vmem>> -> memref<32x128xf32, #tpu.memory_space<vmem>>
    %dma_wait3A_294 = arith.constant 160 : i32
    %dma_wait3A_295 = tpu.memref_slice %arg7[%dma_wait3A_294] : memref<256xi32, #tpu.memory_space<vmem>> -> memref<32xi32, #tpu.memory_space<vmem>>
    %dma_wait3A_296 = arith.constant 0 : i32
    %dma_wait3A_297 = arith.constant 0 : i32
    %dma_wait3A_298 = tpu.memref_slice %arg4[%dma_wait3A_296, %dma_wait3A_297] : memref<100000x128xf32, #tpu.memory_space<hbm>> -> memref<100000x128xf32, #tpu.memory_space<hbm>>
    tpu.wait_indirect_dma semaphore(%arg19 : memref<!tpu.dma_semaphore, #tpu.memory_space<semaphore_mem>>) src(%dma_wait3A_298 : memref<100000x128xf32, #tpu.memory_space<hbm>>) dst(%dma_wait3A_293 : memref<32x128xf32, #tpu.memory_space<vmem>>)
    %dma_start3A_299 = arith.constant 160 : i32
    %dma_start3A_300 = arith.constant 0 : i32
    %dma_start3A_301 = tpu.memref_slice %arg9[%dma_start3A_299, %dma_start3A_300] : memref<256x128xf32, #tpu.memory_space<vmem>> -> memref<32x128xf32, #tpu.memory_space<vmem>>
    %dma_start3A_302 = arith.constant 160 : i32
    %dma_start3A_303 = tpu.memref_slice %arg8[%dma_start3A_302] : memref<256xi32, #tpu.memory_space<vmem>> -> memref<32xi32, #tpu.memory_space<vmem>>
    %dma_start3A_304 = arith.constant 0 : i32
    %dma_start3A_305 = arith.constant 0 : i32
    %dma_start3A_306 = tpu.memref_slice %arg10[%dma_start3A_304, %dma_start3A_305] : memref<2048x128xf32, #tpu.memory_space<vmem_shared>> -> memref<2048x128xf32, #tpu.memory_space<vmem_shared>>
    tpu.enqueue_indirect_dma source(%dma_start3A_306 : memref<2048x128xf32, #tpu.memory_space<vmem_shared>>) target(%dma_start3A_301 : memref<32x128xf32, #tpu.memory_space<vmem>>) offsets(%dma_start3A_303 : memref<32xi32, #tpu.memory_space<vmem>>) semaphore(%arg27 : memref<!tpu.dma_semaphore, #tpu.memory_space<semaphore_mem>>) {add = true}
    %dma_wait3A_307 = arith.constant 128 : i32
    %dma_wait3A_308 = arith.constant 0 : i32
    %dma_wait3A_309 = tpu.memref_slice %arg9[%dma_wait3A_307, %dma_wait3A_308] : memref<256x128xf32, #tpu.memory_space<vmem>> -> memref<32x128xf32, #tpu.memory_space<vmem>>
    %dma_wait3A_310 = arith.constant 128 : i32
    %dma_wait3A_311 = tpu.memref_slice %arg8[%dma_wait3A_310] : memref<256xi32, #tpu.memory_space<vmem>> -> memref<32xi32, #tpu.memory_space<vmem>>
    %dma_wait3A_312 = arith.constant 0 : i32
    %dma_wait3A_313 = arith.constant 0 : i32
    %dma_wait3A_314 = tpu.memref_slice %arg10[%dma_wait3A_312, %dma_wait3A_313] : memref<2048x128xf32, #tpu.memory_space<vmem_shared>> -> memref<2048x128xf32, #tpu.memory_space<vmem_shared>>
    tpu.wait_indirect_dma semaphore(%arg26 : memref<!tpu.dma_semaphore, #tpu.memory_space<semaphore_mem>>) src(%dma_wait3A_314 : memref<2048x128xf32, #tpu.memory_space<vmem_shared>>) dst(%dma_wait3A_309 : memref<32x128xf32, #tpu.memory_space<vmem>>)
    %add3A_315 = arith.constant 128 : i32
    %add3A_316 = arith.addi %mul3A_32, %add3A_315 : i32
    %dma_start3A_317 = arith.constant 128 : i32
    %dma_start3A_318 = arith.constant 0 : i32
    %dma_start3A_319 = tpu.memref_slice %arg9[%dma_start3A_317, %dma_start3A_318] : memref<256x128xf32, #tpu.memory_space<vmem>> -> memref<32x128xf32, #tpu.memory_space<vmem>>
    %dma_start3A_320 = arith.constant 0 : i32
    %dma_start3A_321 = tpu.memref_slice %arg6[%select_n3A, %add3A_316, %dma_start3A_320] : memref<4x2048x128xf32, #tpu.memory_space<hbm>> -> memref<1x32x128xf32, #tpu.memory_space<hbm>>
    %dma_start3A_322 = tpu.memref_squeeze %dma_start3A_321 : memref<1x32x128xf32, #tpu.memory_space<hbm>> -> memref<32x128xf32, #tpu.memory_space<hbm>>
    %dma_start3A_323 = arith.constant 0 : i32
    %dma_start3A_324 = tpu.memref_slice %arg6[%select_n3A, %add3A_316, %dma_start3A_323] : memref<4x2048x128xf32, #tpu.memory_space<hbm>> -> memref<1x32x128xf32, #tpu.memory_space<hbm>>
    %dma_start3A_325 = tpu.memref_squeeze %dma_start3A_324 : memref<1x32x128xf32, #tpu.memory_space<hbm>> -> memref<32x128xf32, #tpu.memory_space<hbm>>
    %dma_start3A_326 = arith.constant 128 : i32
    %dma_start3A_327 = arith.constant 0 : i32
    %dma_start3A_328 = tpu.memref_slice %arg9[%dma_start3A_326, %dma_start3A_327] : memref<256x128xf32, #tpu.memory_space<vmem>> -> memref<32x128xf32, #tpu.memory_space<vmem>>
    tpu.enqueue_dma source(%dma_start3A_328 : memref<32x128xf32, #tpu.memory_space<vmem>>) target(%dma_start3A_325 : memref<32x128xf32, #tpu.memory_space<hbm>>) target_semaphore(%arg13 : memref<!tpu.dma_semaphore, #tpu.memory_space<semaphore_mem>>)
    %dma_wait3A_329 = arith.constant 192 : i32
    %dma_wait3A_330 = arith.constant 0 : i32
    %dma_wait3A_331 = tpu.memref_slice %arg9[%dma_wait3A_329, %dma_wait3A_330] : memref<256x128xf32, #tpu.memory_space<vmem>> -> memref<32x128xf32, #tpu.memory_space<vmem>>
    %dma_wait3A_332 = arith.constant 192 : i32
    %dma_wait3A_333 = tpu.memref_slice %arg7[%dma_wait3A_332] : memref<256xi32, #tpu.memory_space<vmem>> -> memref<32xi32, #tpu.memory_space<vmem>>
    %dma_wait3A_334 = arith.constant 0 : i32
    %dma_wait3A_335 = arith.constant 0 : i32
    %dma_wait3A_336 = tpu.memref_slice %arg4[%dma_wait3A_334, %dma_wait3A_335] : memref<100000x128xf32, #tpu.memory_space<hbm>> -> memref<100000x128xf32, #tpu.memory_space<hbm>>
    tpu.wait_indirect_dma semaphore(%arg20 : memref<!tpu.dma_semaphore, #tpu.memory_space<semaphore_mem>>) src(%dma_wait3A_336 : memref<100000x128xf32, #tpu.memory_space<hbm>>) dst(%dma_wait3A_331 : memref<32x128xf32, #tpu.memory_space<vmem>>)
    %dma_start3A_337 = arith.constant 192 : i32
    %dma_start3A_338 = arith.constant 0 : i32
    %dma_start3A_339 = tpu.memref_slice %arg9[%dma_start3A_337, %dma_start3A_338] : memref<256x128xf32, #tpu.memory_space<vmem>> -> memref<32x128xf32, #tpu.memory_space<vmem>>
    %dma_start3A_340 = arith.constant 192 : i32
    %dma_start3A_341 = tpu.memref_slice %arg8[%dma_start3A_340] : memref<256xi32, #tpu.memory_space<vmem>> -> memref<32xi32, #tpu.memory_space<vmem>>
    %dma_start3A_342 = arith.constant 0 : i32
    %dma_start3A_343 = arith.constant 0 : i32
    %dma_start3A_344 = tpu.memref_slice %arg10[%dma_start3A_342, %dma_start3A_343] : memref<2048x128xf32, #tpu.memory_space<vmem_shared>> -> memref<2048x128xf32, #tpu.memory_space<vmem_shared>>
    tpu.enqueue_indirect_dma source(%dma_start3A_344 : memref<2048x128xf32, #tpu.memory_space<vmem_shared>>) target(%dma_start3A_339 : memref<32x128xf32, #tpu.memory_space<vmem>>) offsets(%dma_start3A_341 : memref<32xi32, #tpu.memory_space<vmem>>) semaphore(%arg28 : memref<!tpu.dma_semaphore, #tpu.memory_space<semaphore_mem>>) {add = true}
    %dma_wait3A_345 = arith.constant 160 : i32
    %dma_wait3A_346 = arith.constant 0 : i32
    %dma_wait3A_347 = tpu.memref_slice %arg9[%dma_wait3A_345, %dma_wait3A_346] : memref<256x128xf32, #tpu.memory_space<vmem>> -> memref<32x128xf32, #tpu.memory_space<vmem>>
    %dma_wait3A_348 = arith.constant 160 : i32
    %dma_wait3A_349 = tpu.memref_slice %arg8[%dma_wait3A_348] : memref<256xi32, #tpu.memory_space<vmem>> -> memref<32xi32, #tpu.memory_space<vmem>>
    %dma_wait3A_350 = arith.constant 0 : i32
    %dma_wait3A_351 = arith.constant 0 : i32
    %dma_wait3A_352 = tpu.memref_slice %arg10[%dma_wait3A_350, %dma_wait3A_351] : memref<2048x128xf32, #tpu.memory_space<vmem_shared>> -> memref<2048x128xf32, #tpu.memory_space<vmem_shared>>
    tpu.wait_indirect_dma semaphore(%arg27 : memref<!tpu.dma_semaphore, #tpu.memory_space<semaphore_mem>>) src(%dma_wait3A_352 : memref<2048x128xf32, #tpu.memory_space<vmem_shared>>) dst(%dma_wait3A_347 : memref<32x128xf32, #tpu.memory_space<vmem>>)
    %add3A_353 = arith.constant 160 : i32
    %add3A_354 = arith.addi %mul3A_32, %add3A_353 : i32
    %dma_start3A_355 = arith.constant 160 : i32
    %dma_start3A_356 = arith.constant 0 : i32
    %dma_start3A_357 = tpu.memref_slice %arg9[%dma_start3A_355, %dma_start3A_356] : memref<256x128xf32, #tpu.memory_space<vmem>> -> memref<32x128xf32, #tpu.memory_space<vmem>>
    %dma_start3A_358 = arith.constant 0 : i32
    %dma_start3A_359 = tpu.memref_slice %arg6[%select_n3A, %add3A_354, %dma_start3A_358] : memref<4x2048x128xf32, #tpu.memory_space<hbm>> -> memref<1x32x128xf32, #tpu.memory_space<hbm>>
    %dma_start3A_360 = tpu.memref_squeeze %dma_start3A_359 : memref<1x32x128xf32, #tpu.memory_space<hbm>> -> memref<32x128xf32, #tpu.memory_space<hbm>>
    %dma_start3A_361 = arith.constant 0 : i32
    %dma_start3A_362 = tpu.memref_slice %arg6[%select_n3A, %add3A_354, %dma_start3A_361] : memref<4x2048x128xf32, #tpu.memory_space<hbm>> -> memref<1x32x128xf32, #tpu.memory_space<hbm>>
    %dma_start3A_363 = tpu.memref_squeeze %dma_start3A_362 : memref<1x32x128xf32, #tpu.memory_space<hbm>> -> memref<32x128xf32, #tpu.memory_space<hbm>>
    %dma_start3A_364 = arith.constant 160 : i32
    %dma_start3A_365 = arith.constant 0 : i32
    %dma_start3A_366 = tpu.memref_slice %arg9[%dma_start3A_364, %dma_start3A_365] : memref<256x128xf32, #tpu.memory_space<vmem>> -> memref<32x128xf32, #tpu.memory_space<vmem>>
    tpu.enqueue_dma source(%dma_start3A_366 : memref<32x128xf32, #tpu.memory_space<vmem>>) target(%dma_start3A_363 : memref<32x128xf32, #tpu.memory_space<hbm>>) target_semaphore(%arg13 : memref<!tpu.dma_semaphore, #tpu.memory_space<semaphore_mem>>)
    %dma_wait3A_367 = arith.constant 224 : i32
    %dma_wait3A_368 = arith.constant 0 : i32
    %dma_wait3A_369 = tpu.memref_slice %arg9[%dma_wait3A_367, %dma_wait3A_368] : memref<256x128xf32, #tpu.memory_space<vmem>> -> memref<32x128xf32, #tpu.memory_space<vmem>>
    %dma_wait3A_370 = arith.constant 224 : i32
    %dma_wait3A_371 = tpu.memref_slice %arg7[%dma_wait3A_370] : memref<256xi32, #tpu.memory_space<vmem>> -> memref<32xi32, #tpu.memory_space<vmem>>
    %dma_wait3A_372 = arith.constant 0 : i32
    %dma_wait3A_373 = arith.constant 0 : i32
    %dma_wait3A_374 = tpu.memref_slice %arg4[%dma_wait3A_372, %dma_wait3A_373] : memref<100000x128xf32, #tpu.memory_space<hbm>> -> memref<100000x128xf32, #tpu.memory_space<hbm>>
    tpu.wait_indirect_dma semaphore(%arg21 : memref<!tpu.dma_semaphore, #tpu.memory_space<semaphore_mem>>) src(%dma_wait3A_374 : memref<100000x128xf32, #tpu.memory_space<hbm>>) dst(%dma_wait3A_369 : memref<32x128xf32, #tpu.memory_space<vmem>>)
    %dma_start3A_375 = arith.constant 224 : i32
    %dma_start3A_376 = arith.constant 0 : i32
    %dma_start3A_377 = tpu.memref_slice %arg9[%dma_start3A_375, %dma_start3A_376] : memref<256x128xf32, #tpu.memory_space<vmem>> -> memref<32x128xf32, #tpu.memory_space<vmem>>
    %dma_start3A_378 = arith.constant 224 : i32
    %dma_start3A_379 = tpu.memref_slice %arg8[%dma_start3A_378] : memref<256xi32, #tpu.memory_space<vmem>> -> memref<32xi32, #tpu.memory_space<vmem>>
    %dma_start3A_380 = arith.constant 0 : i32
    %dma_start3A_381 = arith.constant 0 : i32
    %dma_start3A_382 = tpu.memref_slice %arg10[%dma_start3A_380, %dma_start3A_381] : memref<2048x128xf32, #tpu.memory_space<vmem_shared>> -> memref<2048x128xf32, #tpu.memory_space<vmem_shared>>
    tpu.enqueue_indirect_dma source(%dma_start3A_382 : memref<2048x128xf32, #tpu.memory_space<vmem_shared>>) target(%dma_start3A_377 : memref<32x128xf32, #tpu.memory_space<vmem>>) offsets(%dma_start3A_379 : memref<32xi32, #tpu.memory_space<vmem>>) semaphore(%arg29 : memref<!tpu.dma_semaphore, #tpu.memory_space<semaphore_mem>>) {add = true}
    %dma_wait3A_383 = arith.constant 192 : i32
    %dma_wait3A_384 = arith.constant 0 : i32
    %dma_wait3A_385 = tpu.memref_slice %arg9[%dma_wait3A_383, %dma_wait3A_384] : memref<256x128xf32, #tpu.memory_space<vmem>> -> memref<32x128xf32, #tpu.memory_space<vmem>>
    %dma_wait3A_386 = arith.constant 192 : i32
    %dma_wait3A_387 = tpu.memref_slice %arg8[%dma_wait3A_386] : memref<256xi32, #tpu.memory_space<vmem>> -> memref<32xi32, #tpu.memory_space<vmem>>
    %dma_wait3A_388 = arith.constant 0 : i32
    %dma_wait3A_389 = arith.constant 0 : i32
    %dma_wait3A_390 = tpu.memref_slice %arg10[%dma_wait3A_388, %dma_wait3A_389] : memref<2048x128xf32, #tpu.memory_space<vmem_shared>> -> memref<2048x128xf32, #tpu.memory_space<vmem_shared>>
    tpu.wait_indirect_dma semaphore(%arg28 : memref<!tpu.dma_semaphore, #tpu.memory_space<semaphore_mem>>) src(%dma_wait3A_390 : memref<2048x128xf32, #tpu.memory_space<vmem_shared>>) dst(%dma_wait3A_385 : memref<32x128xf32, #tpu.memory_space<vmem>>)
    %add3A_391 = arith.constant 192 : i32
    %add3A_392 = arith.addi %mul3A_32, %add3A_391 : i32
    %dma_start3A_393 = arith.constant 192 : i32
    %dma_start3A_394 = arith.constant 0 : i32
    %dma_start3A_395 = tpu.memref_slice %arg9[%dma_start3A_393, %dma_start3A_394] : memref<256x128xf32, #tpu.memory_space<vmem>> -> memref<32x128xf32, #tpu.memory_space<vmem>>
    %dma_start3A_396 = arith.constant 0 : i32
    %dma_start3A_397 = tpu.memref_slice %arg6[%select_n3A, %add3A_392, %dma_start3A_396] : memref<4x2048x128xf32, #tpu.memory_space<hbm>> -> memref<1x32x128xf32, #tpu.memory_space<hbm>>
    %dma_start3A_398 = tpu.memref_squeeze %dma_start3A_397 : memref<1x32x128xf32, #tpu.memory_space<hbm>> -> memref<32x128xf32, #tpu.memory_space<hbm>>
    %dma_start3A_399 = arith.constant 0 : i32
    %dma_start3A_400 = tpu.memref_slice %arg6[%select_n3A, %add3A_392, %dma_start3A_399] : memref<4x2048x128xf32, #tpu.memory_space<hbm>> -> memref<1x32x128xf32, #tpu.memory_space<hbm>>
    %dma_start3A_401 = tpu.memref_squeeze %dma_start3A_400 : memref<1x32x128xf32, #tpu.memory_space<hbm>> -> memref<32x128xf32, #tpu.memory_space<hbm>>
    %dma_start3A_402 = arith.constant 192 : i32
    %dma_start3A_403 = arith.constant 0 : i32
    %dma_start3A_404 = tpu.memref_slice %arg9[%dma_start3A_402, %dma_start3A_403] : memref<256x128xf32, #tpu.memory_space<vmem>> -> memref<32x128xf32, #tpu.memory_space<vmem>>
    tpu.enqueue_dma source(%dma_start3A_404 : memref<32x128xf32, #tpu.memory_space<vmem>>) target(%dma_start3A_401 : memref<32x128xf32, #tpu.memory_space<hbm>>) target_semaphore(%arg13 : memref<!tpu.dma_semaphore, #tpu.memory_space<semaphore_mem>>)
    %dma_wait3A_405 = arith.constant 224 : i32
    %dma_wait3A_406 = arith.constant 0 : i32
    %dma_wait3A_407 = tpu.memref_slice %arg9[%dma_wait3A_405, %dma_wait3A_406] : memref<256x128xf32, #tpu.memory_space<vmem>> -> memref<32x128xf32, #tpu.memory_space<vmem>>
    %dma_wait3A_408 = arith.constant 224 : i32
    %dma_wait3A_409 = tpu.memref_slice %arg8[%dma_wait3A_408] : memref<256xi32, #tpu.memory_space<vmem>> -> memref<32xi32, #tpu.memory_space<vmem>>
    %dma_wait3A_410 = arith.constant 0 : i32
    %dma_wait3A_411 = arith.constant 0 : i32
    %dma_wait3A_412 = tpu.memref_slice %arg10[%dma_wait3A_410, %dma_wait3A_411] : memref<2048x128xf32, #tpu.memory_space<vmem_shared>> -> memref<2048x128xf32, #tpu.memory_space<vmem_shared>>
    tpu.wait_indirect_dma semaphore(%arg29 : memref<!tpu.dma_semaphore, #tpu.memory_space<semaphore_mem>>) src(%dma_wait3A_412 : memref<2048x128xf32, #tpu.memory_space<vmem_shared>>) dst(%dma_wait3A_407 : memref<32x128xf32, #tpu.memory_space<vmem>>)
    %add3A_413 = arith.constant 224 : i32
    %add3A_414 = arith.addi %mul3A_32, %add3A_413 : i32
    %dma_start3A_415 = arith.constant 224 : i32
    %dma_start3A_416 = arith.constant 0 : i32
    %dma_start3A_417 = tpu.memref_slice %arg9[%dma_start3A_415, %dma_start3A_416] : memref<256x128xf32, #tpu.memory_space<vmem>> -> memref<32x128xf32, #tpu.memory_space<vmem>>
    %dma_start3A_418 = arith.constant 0 : i32
    %dma_start3A_419 = tpu.memref_slice %arg6[%select_n3A, %add3A_414, %dma_start3A_418] : memref<4x2048x128xf32, #tpu.memory_space<hbm>> -> memref<1x32x128xf32, #tpu.memory_space<hbm>>
    %dma_start3A_420 = tpu.memref_squeeze %dma_start3A_419 : memref<1x32x128xf32, #tpu.memory_space<hbm>> -> memref<32x128xf32, #tpu.memory_space<hbm>>
    %dma_start3A_421 = arith.constant 0 : i32
    %dma_start3A_422 = tpu.memref_slice %arg6[%select_n3A, %add3A_414, %dma_start3A_421] : memref<4x2048x128xf32, #tpu.memory_space<hbm>> -> memref<1x32x128xf32, #tpu.memory_space<hbm>>
    %dma_start3A_423 = tpu.memref_squeeze %dma_start3A_422 : memref<1x32x128xf32, #tpu.memory_space<hbm>> -> memref<32x128xf32, #tpu.memory_space<hbm>>
    %dma_start3A_424 = arith.constant 224 : i32
    %dma_start3A_425 = arith.constant 0 : i32
    %dma_start3A_426 = tpu.memref_slice %arg9[%dma_start3A_424, %dma_start3A_425] : memref<256x128xf32, #tpu.memory_space<vmem>> -> memref<32x128xf32, #tpu.memory_space<vmem>>
    tpu.enqueue_dma source(%dma_start3A_426 : memref<32x128xf32, #tpu.memory_space<vmem>>) target(%dma_start3A_423 : memref<32x128xf32, #tpu.memory_space<hbm>>) target_semaphore(%arg13 : memref<!tpu.dma_semaphore, #tpu.memory_space<semaphore_mem>>)
    %dma_wait3A_427 = arith.constant 0 : i32
    %dma_wait3A_428 = arith.constant 0 : i32
    %dma_wait3A_429 = tpu.memref_slice %arg9[%dma_wait3A_427, %dma_wait3A_428] : memref<256x128xf32, #tpu.memory_space<vmem>> -> memref<32x128xf32, #tpu.memory_space<vmem>>
    %dma_wait3A_430 = arith.constant 0 : i32
    %dma_wait3A_431 = tpu.memref_slice %arg6[%select_n3A, %add3A_164, %dma_wait3A_430] : memref<4x2048x128xf32, #tpu.memory_space<hbm>> -> memref<1x32x128xf32, #tpu.memory_space<hbm>>
    %dma_wait3A_432 = tpu.memref_squeeze %dma_wait3A_431 : memref<1x32x128xf32, #tpu.memory_space<hbm>> -> memref<32x128xf32, #tpu.memory_space<hbm>>
    %dma_wait3A_433 = arith.constant 0 : i32
    %dma_wait3A_434 = tpu.memref_slice %arg6[%select_n3A, %add3A_164, %dma_wait3A_433] : memref<4x2048x128xf32, #tpu.memory_space<hbm>> -> memref<1x32x128xf32, #tpu.memory_space<hbm>>
    %dma_wait3A_435 = tpu.memref_squeeze %dma_wait3A_434 : memref<1x32x128xf32, #tpu.memory_space<hbm>> -> memref<32x128xf32, #tpu.memory_space<hbm>>
    %dma_wait3A_436 = arith.constant 0 : i32
    %dma_wait3A_437 = arith.constant 0 : i32
    %dma_wait3A_438 = tpu.memref_slice %arg9[%dma_wait3A_436, %dma_wait3A_437] : memref<256x128xf32, #tpu.memory_space<vmem>> -> memref<32x128xf32, #tpu.memory_space<vmem>>
    tpu.wait_dma2 semaphore(%arg13 : memref<!tpu.dma_semaphore, #tpu.memory_space<semaphore_mem>>) src(%dma_wait3A_438 : memref<32x128xf32, #tpu.memory_space<vmem>>) dst(%dma_wait3A_435 : memref<32x128xf32, #tpu.memory_space<hbm>>)
    %dma_wait3A_439 = arith.constant 32 : i32
    %dma_wait3A_440 = arith.constant 0 : i32
    %dma_wait3A_441 = tpu.memref_slice %arg9[%dma_wait3A_439, %dma_wait3A_440] : memref<256x128xf32, #tpu.memory_space<vmem>> -> memref<32x128xf32, #tpu.memory_space<vmem>>
    %dma_wait3A_442 = arith.constant 0 : i32
    %dma_wait3A_443 = tpu.memref_slice %arg6[%select_n3A, %add3A_202, %dma_wait3A_442] : memref<4x2048x128xf32, #tpu.memory_space<hbm>> -> memref<1x32x128xf32, #tpu.memory_space<hbm>>
    %dma_wait3A_444 = tpu.memref_squeeze %dma_wait3A_443 : memref<1x32x128xf32, #tpu.memory_space<hbm>> -> memref<32x128xf32, #tpu.memory_space<hbm>>
    %dma_wait3A_445 = arith.constant 0 : i32
    %dma_wait3A_446 = tpu.memref_slice %arg6[%select_n3A, %add3A_202, %dma_wait3A_445] : memref<4x2048x128xf32, #tpu.memory_space<hbm>> -> memref<1x32x128xf32, #tpu.memory_space<hbm>>
    %dma_wait3A_447 = tpu.memref_squeeze %dma_wait3A_446 : memref<1x32x128xf32, #tpu.memory_space<hbm>> -> memref<32x128xf32, #tpu.memory_space<hbm>>
    %dma_wait3A_448 = arith.constant 32 : i32
    %dma_wait3A_449 = arith.constant 0 : i32
    %dma_wait3A_450 = tpu.memref_slice %arg9[%dma_wait3A_448, %dma_wait3A_449] : memref<256x128xf32, #tpu.memory_space<vmem>> -> memref<32x128xf32, #tpu.memory_space<vmem>>
    tpu.wait_dma2 semaphore(%arg13 : memref<!tpu.dma_semaphore, #tpu.memory_space<semaphore_mem>>) src(%dma_wait3A_450 : memref<32x128xf32, #tpu.memory_space<vmem>>) dst(%dma_wait3A_447 : memref<32x128xf32, #tpu.memory_space<hbm>>)
    %dma_wait3A_451 = arith.constant 64 : i32
    %dma_wait3A_452 = arith.constant 0 : i32
    %dma_wait3A_453 = tpu.memref_slice %arg9[%dma_wait3A_451, %dma_wait3A_452] : memref<256x128xf32, #tpu.memory_space<vmem>> -> memref<32x128xf32, #tpu.memory_space<vmem>>
    %dma_wait3A_454 = arith.constant 0 : i32
    %dma_wait3A_455 = tpu.memref_slice %arg6[%select_n3A, %add3A_240, %dma_wait3A_454] : memref<4x2048x128xf32, #tpu.memory_space<hbm>> -> memref<1x32x128xf32, #tpu.memory_space<hbm>>
    %dma_wait3A_456 = tpu.memref_squeeze %dma_wait3A_455 : memref<1x32x128xf32, #tpu.memory_space<hbm>> -> memref<32x128xf32, #tpu.memory_space<hbm>>
    %dma_wait3A_457 = arith.constant 0 : i32
    %dma_wait3A_458 = tpu.memref_slice %arg6[%select_n3A, %add3A_240, %dma_wait3A_457] : memref<4x2048x128xf32, #tpu.memory_space<hbm>> -> memref<1x32x128xf32, #tpu.memory_space<hbm>>
    %dma_wait3A_459 = tpu.memref_squeeze %dma_wait3A_458 : memref<1x32x128xf32, #tpu.memory_space<hbm>> -> memref<32x128xf32, #tpu.memory_space<hbm>>
    %dma_wait3A_460 = arith.constant 64 : i32
    %dma_wait3A_461 = arith.constant 0 : i32
    %dma_wait3A_462 = tpu.memref_slice %arg9[%dma_wait3A_460, %dma_wait3A_461] : memref<256x128xf32, #tpu.memory_space<vmem>> -> memref<32x128xf32, #tpu.memory_space<vmem>>
    tpu.wait_dma2 semaphore(%arg13 : memref<!tpu.dma_semaphore, #tpu.memory_space<semaphore_mem>>) src(%dma_wait3A_462 : memref<32x128xf32, #tpu.memory_space<vmem>>) dst(%dma_wait3A_459 : memref<32x128xf32, #tpu.memory_space<hbm>>)
    %dma_wait3A_463 = arith.constant 96 : i32
    %dma_wait3A_464 = arith.constant 0 : i32
    %dma_wait3A_465 = tpu.memref_slice %arg9[%dma_wait3A_463, %dma_wait3A_464] : memref<256x128xf32, #tpu.memory_space<vmem>> -> memref<32x128xf32, #tpu.memory_space<vmem>>
    %dma_wait3A_466 = arith.constant 0 : i32
    %dma_wait3A_467 = tpu.memref_slice %arg6[%select_n3A, %add3A_278, %dma_wait3A_466] : memref<4x2048x128xf32, #tpu.memory_space<hbm>> -> memref<1x32x128xf32, #tpu.memory_space<hbm>>
    %dma_wait3A_468 = tpu.memref_squeeze %dma_wait3A_467 : memref<1x32x128xf32, #tpu.memory_space<hbm>> -> memref<32x128xf32, #tpu.memory_space<hbm>>
    %dma_wait3A_469 = arith.constant 0 : i32
    %dma_wait3A_470 = tpu.memref_slice %arg6[%select_n3A, %add3A_278, %dma_wait3A_469] : memref<4x2048x128xf32, #tpu.memory_space<hbm>> -> memref<1x32x128xf32, #tpu.memory_space<hbm>>
    %dma_wait3A_471 = tpu.memref_squeeze %dma_wait3A_470 : memref<1x32x128xf32, #tpu.memory_space<hbm>> -> memref<32x128xf32, #tpu.memory_space<hbm>>
    %dma_wait3A_472 = arith.constant 96 : i32
    %dma_wait3A_473 = arith.constant 0 : i32
    %dma_wait3A_474 = tpu.memref_slice %arg9[%dma_wait3A_472, %dma_wait3A_473] : memref<256x128xf32, #tpu.memory_space<vmem>> -> memref<32x128xf32, #tpu.memory_space<vmem>>
    tpu.wait_dma2 semaphore(%arg13 : memref<!tpu.dma_semaphore, #tpu.memory_space<semaphore_mem>>) src(%dma_wait3A_474 : memref<32x128xf32, #tpu.memory_space<vmem>>) dst(%dma_wait3A_471 : memref<32x128xf32, #tpu.memory_space<hbm>>)
    %dma_wait3A_475 = arith.constant 128 : i32
    %dma_wait3A_476 = arith.constant 0 : i32
    %dma_wait3A_477 = tpu.memref_slice %arg9[%dma_wait3A_475, %dma_wait3A_476] : memref<256x128xf32, #tpu.memory_space<vmem>> -> memref<32x128xf32, #tpu.memory_space<vmem>>
    %dma_wait3A_478 = arith.constant 0 : i32
    %dma_wait3A_479 = tpu.memref_slice %arg6[%select_n3A, %add3A_316, %dma_wait3A_478] : memref<4x2048x128xf32, #tpu.memory_space<hbm>> -> memref<1x32x128xf32, #tpu.memory_space<hbm>>
    %dma_wait3A_480 = tpu.memref_squeeze %dma_wait3A_479 : memref<1x32x128xf32, #tpu.memory_space<hbm>> -> memref<32x128xf32, #tpu.memory_space<hbm>>
    %dma_wait3A_481 = arith.constant 0 : i32
    %dma_wait3A_482 = tpu.memref_slice %arg6[%select_n3A, %add3A_316, %dma_wait3A_481] : memref<4x2048x128xf32, #tpu.memory_space<hbm>> -> memref<1x32x128xf32, #tpu.memory_space<hbm>>
    %dma_wait3A_483 = tpu.memref_squeeze %dma_wait3A_482 : memref<1x32x128xf32, #tpu.memory_space<hbm>> -> memref<32x128xf32, #tpu.memory_space<hbm>>
    %dma_wait3A_484 = arith.constant 128 : i32
    %dma_wait3A_485 = arith.constant 0 : i32
    %dma_wait3A_486 = tpu.memref_slice %arg9[%dma_wait3A_484, %dma_wait3A_485] : memref<256x128xf32, #tpu.memory_space<vmem>> -> memref<32x128xf32, #tpu.memory_space<vmem>>
    tpu.wait_dma2 semaphore(%arg13 : memref<!tpu.dma_semaphore, #tpu.memory_space<semaphore_mem>>) src(%dma_wait3A_486 : memref<32x128xf32, #tpu.memory_space<vmem>>) dst(%dma_wait3A_483 : memref<32x128xf32, #tpu.memory_space<hbm>>)
    %dma_wait3A_487 = arith.constant 160 : i32
    %dma_wait3A_488 = arith.constant 0 : i32
    %dma_wait3A_489 = tpu.memref_slice %arg9[%dma_wait3A_487, %dma_wait3A_488] : memref<256x128xf32, #tpu.memory_space<vmem>> -> memref<32x128xf32, #tpu.memory_space<vmem>>
    %dma_wait3A_490 = arith.constant 0 : i32
    %dma_wait3A_491 = tpu.memref_slice %arg6[%select_n3A, %add3A_354, %dma_wait3A_490] : memref<4x2048x128xf32, #tpu.memory_space<hbm>> -> memref<1x32x128xf32, #tpu.memory_space<hbm>>
    %dma_wait3A_492 = tpu.memref_squeeze %dma_wait3A_491 : memref<1x32x128xf32, #tpu.memory_space<hbm>> -> memref<32x128xf32, #tpu.memory_space<hbm>>
    %dma_wait3A_493 = arith.constant 0 : i32
    %dma_wait3A_494 = tpu.memref_slice %arg6[%select_n3A, %add3A_354, %dma_wait3A_493] : memref<4x2048x128xf32, #tpu.memory_space<hbm>> -> memref<1x32x128xf32, #tpu.memory_space<hbm>>
    %dma_wait3A_495 = tpu.memref_squeeze %dma_wait3A_494 : memref<1x32x128xf32, #tpu.memory_space<hbm>> -> memref<32x128xf32, #tpu.memory_space<hbm>>
    %dma_wait3A_496 = arith.constant 160 : i32
    %dma_wait3A_497 = arith.constant 0 : i32
    %dma_wait3A_498 = tpu.memref_slice %arg9[%dma_wait3A_496, %dma_wait3A_497] : memref<256x128xf32, #tpu.memory_space<vmem>> -> memref<32x128xf32, #tpu.memory_space<vmem>>
    tpu.wait_dma2 semaphore(%arg13 : memref<!tpu.dma_semaphore, #tpu.memory_space<semaphore_mem>>) src(%dma_wait3A_498 : memref<32x128xf32, #tpu.memory_space<vmem>>) dst(%dma_wait3A_495 : memref<32x128xf32, #tpu.memory_space<hbm>>)
    %dma_wait3A_499 = arith.constant 192 : i32
    %dma_wait3A_500 = arith.constant 0 : i32
    %dma_wait3A_501 = tpu.memref_slice %arg9[%dma_wait3A_499, %dma_wait3A_500] : memref<256x128xf32, #tpu.memory_space<vmem>> -> memref<32x128xf32, #tpu.memory_space<vmem>>
    %dma_wait3A_502 = arith.constant 0 : i32
    %dma_wait3A_503 = tpu.memref_slice %arg6[%select_n3A, %add3A_392, %dma_wait3A_502] : memref<4x2048x128xf32, #tpu.memory_space<hbm>> -> memref<1x32x128xf32, #tpu.memory_space<hbm>>
    %dma_wait3A_504 = tpu.memref_squeeze %dma_wait3A_503 : memref<1x32x128xf32, #tpu.memory_space<hbm>> -> memref<32x128xf32, #tpu.memory_space<hbm>>
    %dma_wait3A_505 = arith.constant 0 : i32
    %dma_wait3A_506 = tpu.memref_slice %arg6[%select_n3A, %add3A_392, %dma_wait3A_505] : memref<4x2048x128xf32, #tpu.memory_space<hbm>> -> memref<1x32x128xf32, #tpu.memory_space<hbm>>
    %dma_wait3A_507 = tpu.memref_squeeze %dma_wait3A_506 : memref<1x32x128xf32, #tpu.memory_space<hbm>> -> memref<32x128xf32, #tpu.memory_space<hbm>>
    %dma_wait3A_508 = arith.constant 192 : i32
    %dma_wait3A_509 = arith.constant 0 : i32
    %dma_wait3A_510 = tpu.memref_slice %arg9[%dma_wait3A_508, %dma_wait3A_509] : memref<256x128xf32, #tpu.memory_space<vmem>> -> memref<32x128xf32, #tpu.memory_space<vmem>>
    tpu.wait_dma2 semaphore(%arg13 : memref<!tpu.dma_semaphore, #tpu.memory_space<semaphore_mem>>) src(%dma_wait3A_510 : memref<32x128xf32, #tpu.memory_space<vmem>>) dst(%dma_wait3A_507 : memref<32x128xf32, #tpu.memory_space<hbm>>)
    %dma_wait3A_511 = arith.constant 224 : i32
    %dma_wait3A_512 = arith.constant 0 : i32
    %dma_wait3A_513 = tpu.memref_slice %arg9[%dma_wait3A_511, %dma_wait3A_512] : memref<256x128xf32, #tpu.memory_space<vmem>> -> memref<32x128xf32, #tpu.memory_space<vmem>>
    %dma_wait3A_514 = arith.constant 0 : i32
    %dma_wait3A_515 = tpu.memref_slice %arg6[%select_n3A, %add3A_414, %dma_wait3A_514] : memref<4x2048x128xf32, #tpu.memory_space<hbm>> -> memref<1x32x128xf32, #tpu.memory_space<hbm>>
    %dma_wait3A_516 = tpu.memref_squeeze %dma_wait3A_515 : memref<1x32x128xf32, #tpu.memory_space<hbm>> -> memref<32x128xf32, #tpu.memory_space<hbm>>
    %dma_wait3A_517 = arith.constant 0 : i32
    %dma_wait3A_518 = tpu.memref_slice %arg6[%select_n3A, %add3A_414, %dma_wait3A_517] : memref<4x2048x128xf32, #tpu.memory_space<hbm>> -> memref<1x32x128xf32, #tpu.memory_space<hbm>>
    %dma_wait3A_519 = tpu.memref_squeeze %dma_wait3A_518 : memref<1x32x128xf32, #tpu.memory_space<hbm>> -> memref<32x128xf32, #tpu.memory_space<hbm>>
    %dma_wait3A_520 = arith.constant 224 : i32
    %dma_wait3A_521 = arith.constant 0 : i32
    %dma_wait3A_522 = tpu.memref_slice %arg9[%dma_wait3A_520, %dma_wait3A_521] : memref<256x128xf32, #tpu.memory_space<vmem>> -> memref<32x128xf32, #tpu.memory_space<vmem>>
    tpu.wait_dma2 semaphore(%arg13 : memref<!tpu.dma_semaphore, #tpu.memory_space<semaphore_mem>>) src(%dma_wait3A_522 : memref<32x128xf32, #tpu.memory_space<vmem>>) dst(%dma_wait3A_519 : memref<32x128xf32, #tpu.memory_space<hbm>>)
    return
  }
}

</mosaic_0001>

<sc_bundles>
// kernel: kernel.3.cloned.1.call-start
scs
__scs_entry_jumppad:
0x0: {  	(pc) =	sbr.rel $0x88, $3  }
0x1: {  	(tag) =	ssettag $0x0;
	lr =	simm.s32 $0x1  }
0x2: {  	[smem:$0x3F9D] =	sst lr;
	_ =	strace $0xD0000000  }
0x3: {  	_ = 	snop  }
0x4: {  	_ = 	snop  }
0x5: {  	_ = 	snop  }
0x6: {  	_ = 	snop  }
0x7: {  	_ = 	snop  }
__scs_overlays_trampoline_lowered:
0x8: {  	[smem:$0x3FAC] =	sst s0  }
0x9: {  	[smem:$0x3FAD] =	sst s1  }
0xa: {  	[smem:$0x3FAE] =	sst s2  }
0xb: {  	[smem:$0x3FAF] =	sst s3  }
0xc: {  	[smem:$0x3FB0] =	sst s4  }
0xd: {  	[smem:$0x3FB1] =	sst s5  }
0xe: {  	[smem:$0x3FB2] =	sst s6  }
0xf: {  	[smem:$0x3FB3] =	sst s7  }
0x10: {  	[smem:$0x3FB4] =	sst s8  }
0x11: {  	[smem:$0x3FB5] =	sst s9;
	s0 =	simm.s32 @!p0 $0x0  }
0x12: {  	s1 =	sld [smem:$0x3F9B];
	s0 =	simm.s32 @p0 $0x1  }
0x13: {  	[smem:$0x3FB6] =	sst s0;
	s0 =	simm.s32 @!p1 $0x0  }
0x14: {  	s2 =	sld [smem:$0x3F9A];
	s0 =	simm.s32 @p1 $0x1  }
0x15: {  	[smem:$0x3FB7] =	sst s0;
	s0 =	simm.s32 @!p2 $0x0  }
0x16: {  	s3 =	sld [smem:$0x3FDB];
	s0 =	simm.s32 @p2 $0x1  }
0x17: {  	s4 =	simm.s32 $0x1BF5;
	[smem:$0x3FB9] =	sst s0  }
0x18: {  	s0 =	sld [smem:$0x3F9C];
	_ =	swait.ge [sflag:s4], $0x0  }
0x19: {  	s7 =	sld [smem:$0x3F9D]  }
0x1a: {  	s8 =	sadd.s32 $0xFFFFE003, lr  }
0x1b: {  	s9 =	sadd.s32 $0xFFFFFEF7, lr;
	s5 =	simm.s32 $0xFFFFFFFF;
	p2 =	slt.u32 s8, $0xFFFFF086  }
0x1c: {  	p1 =	slt.u32 s9, $0xF7A;
	s5 =	simm.s32 @!p2 $0x0  }
0x1d: {  	s5 =	simm.s32 @p1 $0x1;
	p0 =	seq.s32 s7, s2  }
0x1e: {  	s7 =	smul.u32 @!p0 $0xF7A, s2;
	p2 =	seq.s32 @!p0 s5, $0x0  }
0x1f: {  	s9 =	smul.u32 $0xF7A, s1;
	s8 =	simm.s32 @!p0 $0x1BF5;
	p2 =	por !p2, p0  }
0x20: {  	[sflag:s8] =	ssyncset.s32 @!p0 $0xFFFFF086;
	s6 =	sadd.s32 @!p0 s3, s7;
	s7 =	simm.s32 @!p0 $0x108  }
0x21: {  	s3 =	sadd.s32 s3, s9;
	s6 =	sadd.s32 @!p0 $0x88, s6;
	s7 =	simm.s32 @p2 $0x1082  }
0x22: {  	[simem:s7], [sflag:s8] =	dma.local @!p0 [hbm:s6], $0xF7A  }
0x23: {  	s9 =	sor.u32 $0xD0000000, s2;
	s6 =	simm.s32 $0x108;
	_ =	swait.ge @!p0 [sflag:s8], $0x0  }
0x24: {  	s3 =	sadd.s32 $0x88, s3;
	s6 =	simm.s32 @!p1 $0x1082;
	[sflag:s4] =	ssyncset.s32 $0xFFFFF086  }
0x25: {  	[simem:s6], [sflag:s4] =	dma.local [hbm:s3], $0xF7A  }
0x26: {  	[smem:$0x3F9D] =	sst s1;
	(tag) =	ssettag s2;
	_ =	strace s9  }
0x27: {  	s1 =	sld [smem:$0x3FAD]  }
0x28: {  	s2 =	sld [smem:$0x3FAE]  }
0x29: {  	s4 =	sld [smem:$0x3FB0]  }
0x2a: {  	p0 =	seq.s32 s5, $0x0;
	s5 =	sld [smem:$0x3FB1]  }
0x2b: {  	s6 =	sld [smem:$0x3FB2]  }
0x2c: {  	s7 =	sld [smem:$0x3FB3]  }
0x2d: {  	s3 =	simm.s32 $0x108;
	s8 =	sld [smem:$0x3FB4]  }
0x2e: {  	s3 =	simm.s32 @!p0 $0x1082;
	s9 =	sld [smem:$0x3FB5]  }
0x2f: {  	lr =	sadd.s32 s0, s3;
	s0 =	sld [smem:$0x3FAC]  }
0x30: {  	s3 =	sld [smem:$0x3FAF]  }
0x31: {  	[smem:$0x3FB8] =	sst s10  }
0x32: {  	s10 =	sld [smem:$0x3FB6];
	_ =	sdelay $0x3  }
0x33: {  	p0 =	seq.s32 s10, $0x1;
	s10 =	sld [smem:$0x3FB8];
	_ =	sdelay $0x3  }
0x34: {  	[smem:$0x3FB8] =	sst s10  }
0x35: {  	s10 =	sld [smem:$0x3FB7];
	_ =	sdelay $0x3  }
0x36: {  	p1 =	seq.s32 s10, $0x1;
	s10 =	sld [smem:$0x3FB8];
	_ =	sdelay $0x3  }
0x37: {  	[smem:$0x3FB8] =	sst s10  }
0x38: {  	s10 =	sld [smem:$0x3FB9]  }
0x39: {  	_ = 	snop;
	(pc) =	sbr.ind lr, $3  }
0x3a: {  	_ = 	snop  }
0x3b: {  	_ = 	snop  }
0x3c: {  	p2 =	seq.s32 s10, $0x1;
	s10 =	sld [smem:$0x3FB8]  }
0x3d: {  	_ =	shalt  }
0x3e: {  	_ =	shalt  }
0x3f: {  	_ =	shalt  }
0x40: {  	_ =	shalt  }
0x41: {  	_ =	shalt  }
0x42: {  	_ =	shalt  }
0x43: {  	_ =	shalt  }
0x44: {  	_ =	shalt  }
0x45: {  	_ =	shalt  }
0x46: {  	_ =	shalt  }
0x47: {  	_ =	shalt  }
0x48: {  	_ =	shalt  }
0x49: {  	_ =	shalt  }
0x4a: {  	_ =	shalt  }
0x4b: {  	_ =	shalt  }
0x4c: {  	_ =	shalt  }
0x4d: {  	_ =	shalt  }
0x4e: {  	_ =	shalt  }
0x4f: {  	_ =	shalt  }
0x50: {  	_ =	shalt  }
0x51: {  	_ =	shalt  }
0x52: {  	_ =	shalt  }
0x53: {  	_ =	shalt  }
0x54: {  	_ =	shalt  }
0x55: {  	_ =	shalt  }
0x56: {  	_ =	shalt  }
0x57: {  	_ =	shalt  }
0x58: {  	_ =	shalt  }
0x59: {  	_ =	shalt  }
0x5a: {  	_ =	shalt  }
0x5b: {  	_ =	shalt  }
0x5c: {  	_ =	shalt  }
0x5d: {  	_ =	shalt  }
0x5e: {  	_ =	shalt  }
0x5f: {  	_ =	shalt  }
0x60: {  	_ =	shalt  }
0x61: {  	_ =	shalt  }
0x62: {  	_ =	shalt  }
0x63: {  	_ =	shalt  }
0x64: {  	_ =	shalt  }
0x65: {  	_ =	shalt  }
0x66: {  	_ =	shalt  }
0x67: {  	_ =	shalt  }
0x68: {  	_ =	shalt  }
0x69: {  	_ =	shalt  }
0x6a: {  	_ =	shalt  }
0x6b: {  	_ =	shalt  }
0x6c: {  	_ =	shalt  }
0x6d: {  	_ =	shalt  }
0x6e: {  	_ =	shalt  }
0x6f: {  	_ =	shalt  }
0x70: {  	_ =	shalt  }
0x71: {  	_ =	shalt  }
0x72: {  	_ =	shalt  }
0x73: {  	_ =	shalt  }
0x74: {  	_ =	shalt  }
0x75: {  	_ =	shalt  }
0x76: {  	_ =	shalt  }
0x77: {  	_ =	shalt  }
0x78: {  	_ =	shalt  }
0x79: {  	_ =	shalt  }
0x7a: {  	_ =	shalt  }
0x7b: {  	_ =	shalt  }
0x7c: {  	_ =	shalt  }
0x7d: {  	_ =	shalt  }
0x7e: {  	_ =	shalt  }
0x7f: {  	_ =	shalt  }
0x80: {  	_ =	shalt  }
0x81: {  	_ =	shalt  }
0x82: {  	_ =	shalt  }
0x83: {  	_ =	shalt  }
0x84: {  	_ =	shalt  }
0x85: {  	_ =	shalt  }
0x86: {  	_ =	shalt  }
0x87: {  	_ =	shalt  }
.Lfunc_end0:
.L_simem_size_0:
called_computation_lowered:
.L_overlay_start_0:
0x88: {  	s2 =	sld [smem:$0x3FD9]  }
0x89: {  	s3 =	sld [smem:$0x3FFE];
	_ =	sdelay $0x1  }
0x8a: {  	s1 =	srdreg.scid  }
0x8b: {  	s0 =	sand.u32 $0x1, s1  }
0x8c: {  	s18 =	sshll.u32 s0, $0xA;
	s2 =	sadd.s32 s3, s2  }
0x8d: {  	s2 =	sadd.s32 s2, s18  }
0x8e: {  	[smem:$0x3FC4] =	sst s2  }
0x8f: {  	_ = 	snop  }
0x90: {  	s2 =	sld [smem:$0x3FC9]  }
0x91: {  	s19 =	sld [smem:$0x3FC8]  }
0x92: {  	s4 =	sld [smem:$0x3FC7]  }
0x93: {  	s5 =	sld [smem:$0x3FC6]  }
0x94: {  	s6 =	sld [smem:$0x3FD0];
	(tm) =	ssettm $0x1  }
0x95: {  	s7 =	sld [smem:$0x3FFB];
	_ =	sdelay $0x3  }
0x96: {  	_ =	strace s7  }
0x97: {  	s7 =	sld [smem:$0x3FFC];
	_ =	sdelay $0x3  }
0x98: {  	_ =	strace s7  }
0x99: {  	s7 =	sld [smem:$0x3FFD];
	_ =	sdelay $0x3  }
0x9a: {  	_ =	strace s7  }
0x9b: {  	_ =	strace $0x8FFFFFFF  }
0x9c: {  	s20 =	sld [smem:$0x3FDB];
	_ =	sdelay $0x1  }
0x9d: {  	s8 =	simm.s32 $_scs_section_size  }
0x9e: {  	s9 =	simm.s32 $_size__tile_overlayer_lowered;
	s10 =	simm.s32 $_tile_overlayer_lowered  }
0x9f: {  	s23 =	simm.s32 $0x1BFF;
	s22 =	sshll.u32 s10, $0x1;
	s7 =	sadd.s32 s8, s20  }
0xa0: {  	s11 =	simm.s32 $0x0;
	s21 =	sshll.u32 s9, $0x1;
	s9 =	sadd.s32 s22, s7  }
0xa1: {  	[timem:s11], [sflag:s23] =	dma.local [hbm:s9], s21  }
0xa2: {  	_ =	swait.ge [sflag:s23], s21  }
0xa3: {  	s8 =	ssub.s32 $0x0, s21;
	[sflag:s23] =	ssyncset.done $0x0  }
0xa4: {  	[sflag:s23] =	ssyncadd.s32 s8;
	_ =	sdelay $0x1  }
0xa5: {  	s24 =	simm.s32 $0x1B8B  }
0xa6: {  	_ =	swait.ge [sflag:s24], $0x1  }
0xa7: {  	[sflag:s24] =	ssyncset.done $0x0  }
0xa8: {  	s25 =	simm.s32 $0x1B8E;
	[sflag:s24] =	ssyncadd.s32 $0xFFFFFFFF  }
0xa9: {  	s26 =	simm.s32 $execute0_lowered;
	[smem:$0x3FD2] =	sst s25  }
0xaa: {  	s8 =	sshll.u32 s26, $0x1;
	_ =	strace $0x80000046;
	[dreg:$0x1] =	wrdreg $0xFFFFFFFF  }
0xab: {  	s28 =	simm.s32 $_size_execute0_lowered;
	s7 =	sadd.s32 s7, s8;
	[dreg:$0x0] =	wrdreg $0x0  }
0xac: {  	s8 =	sshll.u32 s28, $0x1;
	[dreg:$0x2] =	wrdreg s7  }
0xad: {  	[dreg:$0x3] =	wrdreg s8  }
0xae: {  	[dreg:$0x4] =	wrdreg $0xC0  }
0xaf: {  	_ =	task [dreg:s11], $0x5FFFF  }
0xb0: {  	[dreg:$0x1] =	wrdreg $0xFFFFFFFF  }
0xb1: {  	[dreg:$0x0] =	wrdreg $0x60  }
0xb2: {  	[dreg:$0x2] =	wrdreg s2  }
0xb3: {  	[dreg:$0x3] =	wrdreg s19  }
0xb4: {  	[dreg:$0x4] =	wrdreg s4  }
0xb5: {  	[dreg:$0x5] =	wrdreg s5  }
0xb6: {  	[dreg:$0x6] =	wrdreg s6  }
0xb7: {  	[dreg:$0x7] =	wrdreg $0x82000  }
0xb8: {  	[dreg:$0x8] =	wrdreg $0x9  }
0xb9: {  	_ =	task.clear_ibuf [dreg:s11], $0x9FFFF;
	_ =	strace $0x90000046  }
0xba: {  	s29 =	simm.s32 $0x9;
	_ =	strace $0x80000048  }
0xbb: {  	_ =	swait.ge [sflag:s29], $0x1  }
0xbc: {  	[sflag:s29] =	ssyncadd.s32 $0xFFFFFFFF  }
0xbd: {  	_ =	strace $0x90000048  }
0xbe: {  	_ =	sfence  }
0xbf: {  	s30 =	sld [smem:$0x0];
	_ =	sdelay $0x2  }
0xc0: {  	s31 =	sshll.u32 s1, $0xD;
	s1 =	sshrl.u32 s1, $0x2  }
0xc1: {  	s3 =	sand.u32 $0x4000, s31;
	s1 =	sadd.s32 s1, s30  }
0xc2: {  	s0 =	sor.u32 s3, s0;
	s1 =	sshll.u32 s1, $0x11  }
0xc3: {  	s0 =	sor.u32 s1, s0  }
0xc4: {  	s0 =	sadd.s32 $0x8F2B, s0  }
0xc5: {  	[sflag:s0] =	ssyncadd.remote.s32 $0x1  }
0xc6: {  	_ =	sfence.sel $0xFFFF  }
0xc7: {  	[dreg:$0x0] =	wrdreg $0xFFFFFFFF;
	(pc) =	sbr.abs _section_cstart, $3  }
0xc8: {  	[dreg:$0x1] =	wrdreg $0xFFFFFFFF  }
0xc9: {  	_ =	task.clear_ibuf [dreg:s11], $0x2FFFF;
	_ =	strace $0x9FFFFFFF  }
0xca: {  	(tm) =	ssettm $0x7FFFFFFF  }
0xcb: {  	_ =	shalt  }
tec
execute0_lowered:
.L_overlay_start_1:
0x0: {  	(tag) =	ssettag $0x1  }
0x1: {  	s0 =	rddreg [dreg:$0x0]  }
0x2: {  	s2 =	rddreg [dreg:$0x1]  }
0x3: {  	s1 =	rddreg [dreg:$0x2]  }
0x4: {  	s5 =	rddreg [dreg:$0x3]  }
0x5: {  	s12 =	stileid.u32;
	s6 =	rddreg [dreg:$0x4]  }
0x6: {  	s4 =	srdreg.scid;
	s3 =	rddreg [dreg:$0x5]  }
0x7: {  	s7 =	sshll.u32 s12, $0x1;
	s11 =	sand.u32 $0x1, s4;
	s13 =	sshrl.u32 s12, $0x2  }
0x8: {  	s4 =	simm.s32 $0x0;
	s15 =	sshll.u32 s12, $0xB;
	s17 =	sshll.u32 s12, $0x6  }
0x9: {  	s10 =	sand.u32 $0x6, s7;
	[smem:$0x7FF] =	sst s4;
	s18 =	sor.u32 $0x1C02, s17  }
0xa: {  	s7 =	simm.s32 $0xA0;
	_ =	strace $0x80000047;
	[dreg:$0xa] =	wrdreg s18  }
0xb: {  	s24 =	sshll.u32 s12, $0xE;
	s12 =	simm.s32 $0x140;
	[dreg:$0x15] =	wrdreg s7  }
0xc: {  	s17 =	simm.s32 $0x1C0;
	s8 =	sor.u32 s11, s10;
	[dreg:$0x19] =	wrdreg s12  }
0xd: {  	s10 =	sshll.u32 s13, $0x4;
	[dreg:$0x1d] =	wrdreg s17;
	s9 =	sshll.u32 s8, $0x7  }
0xe: {  	s18 =	rddreg [dreg:$0xa];
	s9 =	sor.u32 s10, s9;
	s10 =	simm.s32 $0x120  }
0xf: {  	s16 =	sshll.u32 s13, $0xF;
	s0 =	sadd.s32 s0, s9;
	[dreg:$0x18] =	wrdreg s10  }
0x10: {  	s8 =	sshll.u32 s8, $0xC;
	s14 =	sadd.s32 s2, s9;
	[dreg:$0x7] =	wrdreg s0  }
0x11: {  	s2 =	sor.u32 s16, s8;
	s8 =	simm.s32 $0xC0;
	[dreg:$0x8] =	wrdreg s14  }
0x12: {  	s9 =	simm.s32 $0xE0;
	[dreg:$0x16] =	wrdreg s8  }
0x13: {  	s16 =	simm.s32 $0x1A0;
	[dreg:$0x17] =	wrdreg s9  }
0x14: {  	s0 =	sadd.s32 s5, s15;
	[dreg:$0x1c] =	wrdreg s16  }
0x15: {  	s5 =	simm.s32 $0x40;
	[dreg:$0x9] =	wrdreg s0  }
0x16: {  	s13 =	sadd.s32 s6, s2;
	s6 =	simm.s32 $0x60;
	[dreg:$0x13] =	wrdreg s5  }
0x17: {  	s14 =	simm.s32 $0x160;
	[dreg:$0x14] =	wrdreg s6  }
0x18: {  	s15 =	simm.s32 $0x180;
	[dreg:$0x1a] =	wrdreg s14  }
0x19: {  	s19 =	sadd.s32 $0x200, s13;
	[dreg:$0x1b] =	wrdreg s15  }
0x1a: {  	s20 =	sadd.s32 $0x400, s13;
	[dreg:$0xb] =	wrdreg s19  }
0x1b: {  	s21 =	sadd.s32 $0x600, s13;
	[dreg:$0xc] =	wrdreg s20  }
0x1c: {  	s22 =	sadd.s32 $0x800, s13;
	[dreg:$0xd] =	wrdreg s21  }
0x1d: {  	s23 =	sadd.s32 $0xA00, s13;
	[dreg:$0xe] =	wrdreg s22  }
0x1e: {  	s25 =	sadd.s32 $0xC00, s13;
	[dreg:$0xf] =	wrdreg s23  }
0x1f: {  	s2 =	sadd.s32 s24, s3;
	s26 =	sadd.s32 $0xE00, s13;
	[dreg:$0x10] =	wrdreg s25  }
0x20: {  	s2 =	sshrl.u32 s2, $0x3;
	[dreg:$0x11] =	wrdreg s26  }
0x21: {  	[dreg:$0x12] =	wrdreg s2  }
0x22: {  	s19 =	rddreg [dreg:$0x9]  }
0x23: {  	s20 =	rddreg [dreg:$0x7]  }
0x24: {  	s7 =	simm.s32 $0x200;
	s22 =	rddreg [dreg:$0x8]  }
0x25: {  	s21 =	simm.s32 $0x80;
	s23 =	simm.s32 $0x1E0;
	s24 =	rddreg [dreg:$0x12]  }
0x26: {  	[tilespmem:s4], [sflag:$0x1] =	stream.strided.gather [hbm4b:s20+s21], $0x100, s7, s21, $0x38;
	[tilespmem:$0xC200] =	vst v63  }
0x27: {  	s9 =	simm.s32 $0x1;
	s25 =	simm.s32 $0x100;
	[dreg:$0x1e] =	wrdreg s23  }
0x28: {  	[tilespmem:s25], [sflag:$0x1] =	stream.strided.gather [hbm4b:s22+s21], $0x100, s7, s21, $0x38;
	[tilespmem:$0xC200] =	vst v63  }
0x29: {  	[spmem:s24], [sflag:s18] =	dma.local [hbm:s19], $0x800  }
0x2a: {  	_ =	swait.ge [sflag:s9], $0x100  }
0x2b: {  	[sflag:s9] =	ssyncset.done $0x0  }
0x2c: {  	s10 =	simm.s32 $0x20;
	[sflag:s9] =	ssyncadd.s32 $0xFFFFFF00  }
0x2d: {  	[tilespmem:s7], [sflag:$0x4] =	stream.indirect.gather [hbm4b:s1+s10], $0x80, s4, s10, $0xb8;
	[tilespmem:$0xC200] =	vst v63  }
0x2e: {  	s26 =	simm.s32 $0x1200  }
0x2f: {  	[tilespmem:s26], [sflag:$0x5] =	stream.indirect.gather [hbm4b:s1+s10], $0x80, s10, s10, $0xb8;
	[tilespmem:$0xC200] =	vst v63  }
0x30: {  	s8 =	simm.s32 $0x2200;
	s14 =	rddreg [dreg:$0x13]  }
0x31: {  	[tilespmem:s8], [sflag:$0x6] =	stream.indirect.gather [hbm4b:s1+s10], $0x80, s14, s10, $0xb8;
	[tilespmem:$0xC200] =	vst v63  }
0x32: {  	s15 =	rddreg [dreg:$0x14];
	s14 =	simm.s32 $0x3200  }
0x33: {  	[tilespmem:s14], [sflag:$0x7] =	stream.indirect.gather [hbm4b:s1+s10], $0x80, s15, s10, $0xb8;
	[tilespmem:$0xC200] =	vst v63  }
0x34: {  	s15 =	simm.s32 $0x4200  }
0x35: {  	[tilespmem:s15], [sflag:$0x8] =	stream.indirect.gather [hbm4b:s1+s10], $0x80, s21, s10, $0xb8;
	[tilespmem:$0xC200] =	vst v63  }
0x36: {  	s12 =	simm.s32 $0x5200;
	s16 =	rddreg [dreg:$0x15]  }
0x37: {  	[tilespmem:s12], [sflag:$0x9] =	stream.indirect.gather [hbm4b:s1+s10], $0x80, s16, s10, $0xb8;
	[tilespmem:$0xC200] =	vst v63  }
0x38: {  	s17 =	rddreg [dreg:$0x16];
	s16 =	simm.s32 $0x6200  }
0x39: {  	[tilespmem:s16], [sflag:$0xA] =	stream.indirect.gather [hbm4b:s1+s10], $0x80, s17, s10, $0xb8;
	[tilespmem:$0xC200] =	vst v63  }
0x3a: {  	s18 =	rddreg [dreg:$0x17];
	s17 =	simm.s32 $0x7200  }
0x3b: {  	[tilespmem:s17], [sflag:$0xB] =	stream.indirect.gather [hbm4b:s1+s10], $0x80, s18, s10, $0xb8;
	[tilespmem:$0xC200] =	vst v63  }
0x3c: {  	_ =	swait.ge [sflag:s9], $0x100  }
0x3d: {  	[sflag:s9] =	ssyncset.done $0x0  }
0x3e: {  	s19 =	simm.s32 $0x2;
	[sflag:s9] =	ssyncadd.s32 $0xFFFFFF00  }
0x3f: {  	_ =	swait.ge [sflag:s19], $0x800  }
0x40: {  	[sflag:s19] =	ssyncset.done $0x0  }
0x41: {  	[sflag:s19] =	ssyncadd.s32 $0xFFFFF800  }
0x42: {  	s20 =	simm.s32 $0x4;
	[bflag:$0x0] =	sbarrier.arrive $0xFFFF  }
0x43: {  	_ =	swait.ge [sflag:s20], $0x1000  }
0x44: {  	[sflag:s20] =	ssyncset.done $0x0  }
0x45: {  	s21 =	simm.s32 $0x5;
	[sflag:s20] =	ssyncadd.s32 $0xFFFFF000  }
0x46: {  	[tilespmem:s7], [sflag:$0xC] =	stream.indirect.gather.add.f32 [spmem:s3], $0x80, s25, s10, $0xb8;
	[tilespmem:$0xC200] =	vst v63  }
0x47: {  	_ =	swait.ge [sflag:s21], $0x1000  }
0x48: {  	[sflag:s21] =	ssyncset.done $0x0  }
0x49: {  	s23 =	simm.s32 $0xC;
	s22 =	rddreg [dreg:$0x18];
	[sflag:s21] =	ssyncadd.s32 $0xFFFFF000  }
0x4a: {  	[tilespmem:s26], [sflag:$0xD] =	stream.indirect.gather.add.f32 [spmem:s3], $0x80, s22, s10, $0xb8;
	[tilespmem:$0xC200] =	vst v63  }
0x4b: {  	_ =	swait.ge [sflag:s23], $0x1000  }
0x4c: {  	[sflag:s23] =	ssyncset.done $0x0  }
0x4d: {  	s22 =	simm.s32 $0x6;
	[dreg:$0x1f] =	wrdreg s13;
	[sflag:s23] =	ssyncadd.s32 $0xFFFFF000  }
0x4e: {  	[hbm4b:s13+s4] =	stream.linear.scatter [tilespmem:s7], [sflag:$0x3], $0x1000, $0x38;
	[tilespmem:$0xC200] =	vst v63  }
0x4f: {  	_ =	swait.ge [sflag:s22], $0x1000  }
0x50: {  	[sflag:s22] =	ssyncset.done $0x0  }
0x51: {  	s23 =	simm.s32 $0xD;
	s24 =	rddreg [dreg:$0x19];
	[sflag:s22] =	ssyncadd.s32 $0xFFFFF000  }
0x52: {  	[tilespmem:s8], [sflag:$0xE] =	stream.indirect.gather.add.f32 [spmem:s3], $0x80, s24, s10, $0xb8;
	[tilespmem:$0xC200] =	vst v63  }
0x53: {  	_ =	swait.ge [sflag:s23], $0x1000  }
0x54: {  	[sflag:s23] =	ssyncset.done $0x0  }
0x55: {  	s24 =	simm.s32 $0x7;
	s25 =	rddreg [dreg:$0xb];
	[sflag:s23] =	ssyncadd.s32 $0xFFFFF000  }
0x56: {  	[hbm4b:s25+s4] =	stream.linear.scatter [tilespmem:s26], [sflag:$0x3], $0x1000, $0x38;
	[tilespmem:$0xC200] =	vst v63  }
0x57: {  	_ =	swait.ge [sflag:s24], $0x1000  }
0x58: {  	[sflag:s24] =	ssyncset.done $0x0  }
0x59: {  	s25 =	simm.s32 $0xE;
	s26 =	rddreg [dreg:$0x1a];
	[sflag:s24] =	ssyncadd.s32 $0xFFFFF000  }
0x5a: {  	[tilespmem:s14], [sflag:$0xF] =	stream.indirect.gather.add.f32 [spmem:s3], $0x80, s26, s10, $0xb8;
	[tilespmem:$0xC200] =	vst v63  }
0x5b: {  	_ =	swait.ge [sflag:s25], $0x1000  }
0x5c: {  	[sflag:s25] =	ssyncset.done $0x0  }
0x5d: {  	s26 =	simm.s32 $0x8;
	s2 =	rddreg [dreg:$0xc];
	[sflag:s25] =	ssyncadd.s32 $0xFFFFF000  }
0x5e: {  	[hbm4b:s2+s4] =	stream.linear.scatter [tilespmem:s8], [sflag:$0x3], $0x1000, $0x38;
	[tilespmem:$0xC200] =	vst v63  }
0x5f: {  	_ =	swait.ge [sflag:s26], $0x1000  }
0x60: {  	[sflag:s26] =	ssyncset.done $0x0  }
0x61: {  	s28 =	simm.s32 $0xF;
	s5 =	rddreg [dreg:$0x1b];
	[sflag:s26] =	ssyncadd.s32 $0xFFFFF000  }
0x62: {  	[tilespmem:s15], [sflag:$0x10] =	stream.indirect.gather.add.f32 [spmem:s3], $0x80, s5, s10, $0xb8;
	[tilespmem:$0xC200] =	vst v63  }
0x63: {  	_ =	swait.ge [sflag:s28], $0x1000  }
0x64: {  	[sflag:s28] =	ssyncset.done $0x0  }
0x65: {  	s29 =	simm.s32 $0x9;
	s6 =	rddreg [dreg:$0xd];
	[sflag:s28] =	ssyncadd.s32 $0xFFFFF000  }
0x66: {  	[hbm4b:s6+s4] =	stream.linear.scatter [tilespmem:s14], [sflag:$0x3], $0x1000, $0x38;
	[tilespmem:$0xC200] =	vst v63  }
0x67: {  	_ =	swait.ge [sflag:s29], $0x1000  }
0x68: {  	[sflag:s29] =	ssyncset.done $0x0  }
0x69: {  	s30 =	simm.s32 $0x10;
	s8 =	rddreg [dreg:$0x1c];
	[sflag:s29] =	ssyncadd.s32 $0xFFFFF000  }
0x6a: {  	[tilespmem:s12], [sflag:$0x11] =	stream.indirect.gather.add.f32 [spmem:s3], $0x80, s8, s10, $0xb8;
	[tilespmem:$0xC200] =	vst v63  }
0x6b: {  	_ =	swait.ge [sflag:s30], $0x1000  }
0x6c: {  	[sflag:s30] =	ssyncset.done $0x0  }
0x6d: {  	s31 =	simm.s32 $0xA;
	s13 =	rddreg [dreg:$0xe];
	[sflag:s30] =	ssyncadd.s32 $0xFFFFF000  }
0x6e: {  	[hbm4b:s13+s4] =	stream.linear.scatter [tilespmem:s15], [sflag:$0x3], $0x1000, $0x38;
	[tilespmem:$0xC200] =	vst v63  }
0x6f: {  	_ =	swait.ge [sflag:s31], $0x1000  }
0x70: {  	[sflag:s31] =	ssyncset.done $0x0  }
0x71: {  	s2 =	simm.s32 $0x11;
	s14 =	rddreg [dreg:$0x1d];
	[sflag:s31] =	ssyncadd.s32 $0xFFFFF000  }
0x72: {  	[tilespmem:s16], [sflag:$0x12] =	stream.indirect.gather.add.f32 [spmem:s3], $0x80, s14, s10, $0xb8;
	[tilespmem:$0xC200] =	vst v63  }
0x73: {  	_ =	swait.ge [sflag:s2], $0x1000  }
0x74: {  	[sflag:s2] =	ssyncset.done $0x0  }
0x75: {  	s0 =	simm.s32 $0xB;
	s15 =	rddreg [dreg:$0xf];
	[sflag:s2] =	ssyncadd.s32 $0xFFFFF000  }
0x76: {  	[hbm4b:s15+s4] =	stream.linear.scatter [tilespmem:s12], [sflag:$0x3], $0x1000, $0x38;
	[tilespmem:$0xC200] =	vst v63  }
0x77: {  	_ =	swait.ge [sflag:s0], $0x1000  }
0x78: {  	[sflag:s0] =	ssyncset.done $0x0  }
0x79: {  	s5 =	simm.s32 $0x12;
	s18 =	rddreg [dreg:$0x1e];
	[sflag:s0] =	ssyncadd.s32 $0xFFFFF000  }
0x7a: {  	[tilespmem:s17], [sflag:$0x13] =	stream.indirect.gather.add.f32 [spmem:s3], $0x80, s18, s10, $0xb8;
	[tilespmem:$0xC200] =	vst v63  }
0x7b: {  	_ =	swait.ge [sflag:s5], $0x1000  }
0x7c: {  	[sflag:s5] =	ssyncset.done $0x0  }
0x7d: {  	s8 =	simm.s32 $0x13;
	s19 =	rddreg [dreg:$0x10];
	[sflag:s5] =	ssyncadd.s32 $0xFFFFF000  }
0x7e: {  	[hbm4b:s19+s4] =	stream.linear.scatter [tilespmem:s16], [sflag:$0x3], $0x1000, $0x38;
	[tilespmem:$0xC200] =	vst v63  }
0x7f: {  	_ =	swait.ge [sflag:s8], $0x1000  }
0x80: {  	[sflag:s8] =	ssyncset.done $0x0  }
0x81: {  	s6 =	simm.s32 $0x3;
	s20 =	rddreg [dreg:$0x11];
	[sflag:s8] =	ssyncadd.s32 $0xFFFFF000  }
0x82: {  	[hbm4b:s20+s4] =	stream.linear.scatter [tilespmem:s17], [sflag:$0x3], $0x1000, $0x38;
	[tilespmem:$0xC200] =	vst v63  }
0x83: {  	_ =	swait.ge [sflag:s6], $0x1000  }
0x84: {  	[sflag:s6] =	ssyncset.done $0x0  }
0x85: {  	[sflag:s6] =	ssyncadd.s32 $0xFFFFF000  }
0x86: {  	_ =	swait.ge [sflag:s6], $0x1000  }
0x87: {  	[sflag:s6] =	ssyncset.done $0x0  }
0x88: {  	[sflag:s6] =	ssyncadd.s32 $0xFFFFF000  }
0x89: {  	_ =	swait.ge [sflag:s6], $0x1000  }
0x8a: {  	[sflag:s6] =	ssyncset.done $0x0  }
0x8b: {  	[sflag:s6] =	ssyncadd.s32 $0xFFFFF000  }
0x8c: {  	_ =	swait.ge [sflag:s6], $0x1000  }
0x8d: {  	[sflag:s6] =	ssyncset.done $0x0  }
0x8e: {  	[sflag:s6] =	ssyncadd.s32 $0xFFFFF000  }
0x8f: {  	s21 =	ssub.s32 $0x2, s11;
	_ =	swait.ge [sflag:s6], $0x1000  }
0x90: {  	s11 =	sshrl.u32 s21, $0x1;
	[sflag:s6] =	ssyncset.done $0x0  }
0x91: {  	s11 =	ssub.s32 s21, s11;
	[sflag:s6] =	ssyncadd.s32 $0xFFFFF000  }
0x92: {  	s11 =	smax.u32 s11, $0x1;
	_ =	swait.ge [sflag:s6], $0x1000  }
0x93: {  	p0 =	sne.s32 s11, $0x1;
	[sflag:s6] =	ssyncset.done $0x0  }
.Ltmp0:
0x94: {  	[sflag:s6] =	ssyncadd.s32 $0xFFFFF000;
	(pc) =	sbr.rel @!p0 .LBB2_3-.Ltmp0, $4  }
0x95: {  	_ =	swait.ge [sflag:s6], $0x1000  }
0x96: {  	[sflag:s6] =	ssyncset.done $0x0  }
0x97: {  	[sflag:s6] =	ssyncadd.s32 $0xFFFFF000  }
0x98: {  	s11 =	sadd.s32 $0xFFFFFFFF, s11;
	_ =	swait.ge [sflag:s6], $0x1000  }
0x99: {  	s18 =	simm.s32 $0x100  }
0x9a: {  	s19 =	simm.s32 $0x3200;
	s20 =	simm.s32 $0x4200;
	s21 =	simm.s32 $0x6200  }
.LBB2_2:
0x9b: {  	s12 =	rddreg [dreg:$0xa]  }
0x9c: {  	s13 =	rddreg [dreg:$0x9]  }
0x9d: {  	[sflag:s6] =	ssyncset.done $0x0;
	s14 =	rddreg [dreg:$0x7]  }
0x9e: {  	s15 =	rddreg [dreg:$0x8];
	s17 =	simm.s32 $0x80;
	[sflag:s6] =	ssyncadd.s32 $0xFFFFF000  }
0x9f: {  	[tilespmem:s4], [sflag:$0x1] =	stream.strided.gather [hbm4b:s14+s17], $0x100, s7, s17, $0x38;
	[tilespmem:$0xC200] =	vst v63  }
0xa0: {  	s16 =	rddreg [dreg:$0x12]  }
0xa1: {  	[tilespmem:s18], [sflag:$0x1] =	stream.strided.gather [hbm4b:s15+s17], $0x100, s7, s17, $0x38;
	[tilespmem:$0xC200] =	vst v63  }
0xa2: {  	[spmem:s16], [sflag:s12] =	dma.local [hbm:s13], $0x800  }
0xa3: {  	_ =	swait.ge [sflag:s9], $0x100  }
0xa4: {  	[sflag:s9] =	ssyncset.done $0x0  }
0xa5: {  	[sflag:s9] =	ssyncadd.s32 $0xFFFFFF00  }
0xa6: {  	[tilespmem:s7], [sflag:$0x4] =	stream.indirect.gather [hbm4b:s1+s10], $0x80, s4, s10, $0xb8;
	[tilespmem:$0xC200] =	vst v63  }
0xa7: {  	s15 =	simm.s32 $0x1200  }
0xa8: {  	[tilespmem:s15], [sflag:$0x5] =	stream.indirect.gather [hbm4b:s1+s10], $0x80, s10, s10, $0xb8;
	[tilespmem:$0xC200] =	vst v63  }
0xa9: {  	s16 =	simm.s32 $0x2200;
	s13 =	rddreg [dreg:$0x13]  }
0xaa: {  	[tilespmem:s16], [sflag:$0x6] =	stream.indirect.gather [hbm4b:s1+s10], $0x80, s13, s10, $0xb8;
	[tilespmem:$0xC200] =	vst v63  }
0xab: {  	s14 =	rddreg [dreg:$0x14]  }
0xac: {  	[tilespmem:s19], [sflag:$0x7] =	stream.indirect.gather [hbm4b:s1+s10], $0x80, s14, s10, $0xb8;
	[tilespmem:$0xC200] =	vst v63  }
0xad: {  	_ = 	snop  }
0xae: {  	[tilespmem:s20], [sflag:$0x8] =	stream.indirect.gather [hbm4b:s1+s10], $0x80, s17, s10, $0xb8;
	[tilespmem:$0xC200] =	vst v63  }
0xaf: {  	s12 =	rddreg [dreg:$0x15];
	s17 =	simm.s32 $0x5200  }
0xb0: {  	[tilespmem:s17], [sflag:$0x9] =	stream.indirect.gather [hbm4b:s1+s10], $0x80, s12, s10, $0xb8;
	[tilespmem:$0xC200] =	vst v63  }
0xb1: {  	s13 =	rddreg [dreg:$0x16]  }
0xb2: {  	[tilespmem:s21], [sflag:$0xA] =	stream.indirect.gather [hbm4b:s1+s10], $0x80, s13, s10, $0xb8;
	[tilespmem:$0xC200] =	vst v63  }
0xb3: {  	s14 =	rddreg [dreg:$0x17];
	s13 =	simm.s32 $0x7200  }
0xb4: {  	[tilespmem:s13], [sflag:$0xB] =	stream.indirect.gather [hbm4b:s1+s10], $0x80, s14, s10, $0xb8;
	[tilespmem:$0xC200] =	vst v63  }
0xb5: {  	_ =	swait.ge [sflag:s9], $0x100  }
0xb6: {  	[sflag:s9] =	ssyncset.done $0x0  }
0xb7: {  	s14 =	simm.s32 $0x2;
	[sflag:s9] =	ssyncadd.s32 $0xFFFFFF00  }
0xb8: {  	_ =	swait.ge [sflag:s14], $0x800  }
0xb9: {  	[sflag:s14] =	ssyncset.done $0x0  }
0xba: {  	[sflag:s14] =	ssyncadd.s32 $0xFFFFF800  }
0xbb: {  	s14 =	simm.s32 $0x4;
	[bflag:$0x0] =	sbarrier.arrive $0xFFFF  }
0xbc: {  	_ =	swait.ge [sflag:s14], $0x1000  }
0xbd: {  	[sflag:s14] =	ssyncset.done $0x0  }
0xbe: {  	[sflag:s14] =	ssyncadd.s32 $0xFFFFF000;
	s14 =	simm.s32 $0x5  }
0xbf: {  	[tilespmem:s7], [sflag:$0xC] =	stream.indirect.gather.add.f32 [spmem:s3], $0x80, s18, s10, $0xb8;
	[tilespmem:$0xC200] =	vst v63  }
0xc0: {  	_ =	swait.ge [sflag:s14], $0x1000  }
0xc1: {  	[sflag:s14] =	ssyncset.done $0x0  }
0xc2: {  	s12 =	rddreg [dreg:$0x18];
	[sflag:s14] =	ssyncadd.s32 $0xFFFFF000;
	s14 =	simm.s32 $0xC  }
0xc3: {  	[tilespmem:s15], [sflag:$0xD] =	stream.indirect.gather.add.f32 [spmem:s3], $0x80, s12, s10, $0xb8;
	[tilespmem:$0xC200] =	vst v63  }
0xc4: {  	_ =	swait.ge [sflag:s14], $0x1000  }
0xc5: {  	[sflag:s14] =	ssyncset.done $0x0  }
0xc6: {  	[sflag:s14] =	ssyncadd.s32 $0xFFFFF000;
	s14 =	rddreg [dreg:$0x1f]  }
0xc7: {  	[hbm4b:s14+s4] =	stream.linear.scatter [tilespmem:s7], [sflag:$0x3], $0x1000, $0x38;
	[tilespmem:$0xC200] =	vst v63  }
0xc8: {  	_ =	swait.ge [sflag:s22], $0x1000  }
0xc9: {  	[sflag:s22] =	ssyncset.done $0x0  }
0xca: {  	s14 =	rddreg [dreg:$0x19];
	[sflag:s22] =	ssyncadd.s32 $0xFFFFF000  }
0xcb: {  	[tilespmem:s16], [sflag:$0xE] =	stream.indirect.gather.add.f32 [spmem:s3], $0x80, s14, s10, $0xb8;
	[tilespmem:$0xC200] =	vst v63  }
0xcc: {  	_ =	swait.ge [sflag:s23], $0x1000  }
0xcd: {  	[sflag:s23] =	ssyncset.done $0x0  }
0xce: {  	s14 =	rddreg [dreg:$0xb];
	[sflag:s23] =	ssyncadd.s32 $0xFFFFF000  }
0xcf: {  	[hbm4b:s14+s4] =	stream.linear.scatter [tilespmem:s15], [sflag:$0x3], $0x1000, $0x38;
	[tilespmem:$0xC200] =	vst v63  }
0xd0: {  	_ =	swait.ge [sflag:s24], $0x1000  }
0xd1: {  	[sflag:s24] =	ssyncset.done $0x0  }
0xd2: {  	s15 =	rddreg [dreg:$0x1a];
	[sflag:s24] =	ssyncadd.s32 $0xFFFFF000  }
0xd3: {  	[tilespmem:s19], [sflag:$0xF] =	stream.indirect.gather.add.f32 [spmem:s3], $0x80, s15, s10, $0xb8;
	[tilespmem:$0xC200] =	vst v63  }
0xd4: {  	_ =	swait.ge [sflag:s25], $0x1000  }
0xd5: {  	[sflag:s25] =	ssyncset.done $0x0  }
0xd6: {  	s14 =	rddreg [dreg:$0xc];
	[sflag:s25] =	ssyncadd.s32 $0xFFFFF000  }
0xd7: {  	[hbm4b:s14+s4] =	stream.linear.scatter [tilespmem:s16], [sflag:$0x3], $0x1000, $0x38;
	[tilespmem:$0xC200] =	vst v63  }
0xd8: {  	_ =	swait.ge [sflag:s26], $0x1000  }
0xd9: {  	[sflag:s26] =	ssyncset.done $0x0  }
0xda: {  	s15 =	rddreg [dreg:$0x1b];
	[sflag:s26] =	ssyncadd.s32 $0xFFFFF000  }
0xdb: {  	[tilespmem:s20], [sflag:$0x10] =	stream.indirect.gather.add.f32 [spmem:s3], $0x80, s15, s10, $0xb8;
	[tilespmem:$0xC200] =	vst v63  }
0xdc: {  	_ =	swait.ge [sflag:s28], $0x1000  }
0xdd: {  	[sflag:s28] =	ssyncset.done $0x0  }
0xde: {  	s16 =	rddreg [dreg:$0xd];
	[sflag:s28] =	ssyncadd.s32 $0xFFFFF000  }
0xdf: {  	[hbm4b:s16+s4] =	stream.linear.scatter [tilespmem:s19], [sflag:$0x3], $0x1000, $0x38;
	[tilespmem:$0xC200] =	vst v63  }
0xe0: {  	_ =	swait.ge [sflag:s29], $0x1000  }
0xe1: {  	[sflag:s29] =	ssyncset.done $0x0  }
0xe2: {  	s14 =	rddreg [dreg:$0x1c];
	[sflag:s29] =	ssyncadd.s32 $0xFFFFF000  }
0xe3: {  	[tilespmem:s17], [sflag:$0x11] =	stream.indirect.gather.add.f32 [spmem:s3], $0x80, s14, s10, $0xb8;
	[tilespmem:$0xC200] =	vst v63  }
0xe4: {  	_ =	swait.ge [sflag:s30], $0x1000  }
0xe5: {  	[sflag:s30] =	ssyncset.done $0x0  }
0xe6: {  	s15 =	rddreg [dreg:$0xe];
	[sflag:s30] =	ssyncadd.s32 $0xFFFFF000  }
0xe7: {  	[hbm4b:s15+s4] =	stream.linear.scatter [tilespmem:s20], [sflag:$0x3], $0x1000, $0x38;
	[tilespmem:$0xC200] =	vst v63  }
0xe8: {  	_ =	swait.ge [sflag:s31], $0x1000  }
0xe9: {  	[sflag:s31] =	ssyncset.done $0x0  }
0xea: {  	s16 =	rddreg [dreg:$0x1d];
	[sflag:s31] =	ssyncadd.s32 $0xFFFFF000  }
0xeb: {  	[tilespmem:s21], [sflag:$0x12] =	stream.indirect.gather.add.f32 [spmem:s3], $0x80, s16, s10, $0xb8;
	[tilespmem:$0xC200] =	vst v63  }
0xec: {  	_ =	swait.ge [sflag:s2], $0x1000  }
0xed: {  	[sflag:s2] =	ssyncset.done $0x0  }
0xee: {  	s14 =	rddreg [dreg:$0xf];
	[sflag:s2] =	ssyncadd.s32 $0xFFFFF000  }
0xef: {  	[hbm4b:s14+s4] =	stream.linear.scatter [tilespmem:s17], [sflag:$0x3], $0x1000, $0x38;
	[tilespmem:$0xC200] =	vst v63  }
0xf0: {  	_ =	swait.ge [sflag:s0], $0x1000  }
0xf1: {  	[sflag:s0] =	ssyncset.done $0x0  }
0xf2: {  	s15 =	rddreg [dreg:$0x1e];
	[sflag:s0] =	ssyncadd.s32 $0xFFFFF000  }
0xf3: {  	[tilespmem:s13], [sflag:$0x13] =	stream.indirect.gather.add.f32 [spmem:s3], $0x80, s15, s10, $0xb8;
	[tilespmem:$0xC200] =	vst v63  }
0xf4: {  	_ =	swait.ge [sflag:s5], $0x1000  }
0xf5: {  	[sflag:s5] =	ssyncset.done $0x0  }
0xf6: {  	s16 =	rddreg [dreg:$0x10];
	[sflag:s5] =	ssyncadd.s32 $0xFFFFF000  }
0xf7: {  	[hbm4b:s16+s4] =	stream.linear.scatter [tilespmem:s21], [sflag:$0x3], $0x1000, $0x38;
	[tilespmem:$0xC200] =	vst v63  }
0xf8: {  	_ =	swait.ge [sflag:s8], $0x1000  }
0xf9: {  	[sflag:s8] =	ssyncset.done $0x0  }
0xfa: {  	s17 =	rddreg [dreg:$0x11];
	[sflag:s8] =	ssyncadd.s32 $0xFFFFF000  }
0xfb: {  	[hbm4b:s17+s4] =	stream.linear.scatter [tilespmem:s13], [sflag:$0x3], $0x1000, $0x38;
	[tilespmem:$0xC200] =	vst v63  }
0xfc: {  	_ =	swait.ge [sflag:s6], $0x1000  }
0xfd: {  	[sflag:s6] =	ssyncset.done $0x0  }
0xfe: {  	[sflag:s6] =	ssyncadd.s32 $0xFFFFF000  }
0xff: {  	_ =	swait.ge [sflag:s6], $0x1000  }
0x100: {  	[sflag:s6] =	ssyncset.done $0x0  }
0x101: {  	[sflag:s6] =	ssyncadd.s32 $0xFFFFF000  }
0x102: {  	_ =	swait.ge [sflag:s6], $0x1000  }
0x103: {  	[sflag:s6] =	ssyncset.done $0x0  }
0x104: {  	[sflag:s6] =	ssyncadd.s32 $0xFFFFF000  }
0x105: {  	_ =	swait.ge [sflag:s6], $0x1000  }
0x106: {  	[sflag:s6] =	ssyncset.done $0x0  }
0x107: {  	[sflag:s6] =	ssyncadd.s32 $0xFFFFF000  }
0x108: {  	_ =	swait.ge [sflag:s6], $0x1000  }
0x109: {  	[sflag:s6] =	ssyncset.done $0x0  }
0x10a: {  	[sflag:s6] =	ssyncadd.s32 $0xFFFFF000  }
0x10b: {  	_ =	swait.ge [sflag:s6], $0x1000  }
0x10c: {  	p0 =	sne.s32 s11, $0x1;
	[sflag:s6] =	ssyncset.done $0x0  }
.Ltmp1:
0x10d: {  	[sflag:s6] =	ssyncadd.s32 $0xFFFFF000;
	(pc) =	sbr.rel @p0 .LBB2_2-.Ltmp1, $4  }
0x10e: {  	_ =	swait.ge [sflag:s6], $0x1000  }
0x10f: {  	[sflag:s6] =	ssyncset.done $0x0  }
0x110: {  	[sflag:s6] =	ssyncadd.s32 $0xFFFFF000  }
0x111: {  	s11 =	sadd.s32 $0xFFFFFFFF, s11;
	_ =	swait.ge [sflag:s6], $0x1000  }
.LBB2_3:
0x112: {  	[sflag:s6] =	ssyncset.done $0x0  }
0x113: {  	[sflag:s6] =	ssyncadd.s32 $0xFFFFF000  }
0x114: {  	_ =	sfence.sel $0x180000  }
0x115: {  	[bflag:$0x0] =	sbarrier.arrive $0xFFFF  }
0x116: {  	_ =	strace $0x90000047  }
0x117: {  	s0 =	stileid.u32;
	[bflag:$0x2] =	sbarrier.arrive $0xFFFF  }
0x118: {  	p0 =	sne.s32 s0, $0x0;
	s0 =	rddreg [dreg:$0x6]  }
0x119: {  	s0 =	sadd.s32 @!p0 $0x100000, s0  }
0x11a: {  	[sflag:s0] =	ssyncadd.tile.s32 @!p0 $0x1;
	_ =	shalt  }
.Lfunc_end2:
_tile_overlayer_lowered:
.L_overlay_start_2:
0x11b: {  	(tag) =	ssettag $0x2  }
0x11c: {  	s0 =	rddreg [dreg:$0x0];
	s2 =	stileid.u32  }
0x11d: {  	s1 =	rddreg [dreg:$0x1];
	p0 =	sne.s32 s2, $0x0  }
0x11e: {  	s3 =	rddreg [dreg:$0x2];
	[bflag:$0x3] =	sbarrier.arrive $0xFFFF;
	s2 =	simm.s32 @!p0 $0x1C14  }
0x11f: {  	[timem:s3], [sflag:s2] =	dma.local @!p0 [hbm:s0], s1  }
0x120: {  	s0 =	simm.s32 @!p0 $0x14  }
0x121: {  	_ =	swait.ge @!p0 [sflag:s0], s1  }
0x122: {  	s1 =	ssub.s32 @!p0 $0x0, s1;
	[sflag:s0] =	ssyncset.done @!p0 $0x0  }
0x123: {  	[sflag:s0] =	ssyncadd.s32 @!p0 s1  }
0x124: {  	[bflag:$0x3] =	sbarrier.arrive $0xFFFF  }
0x125: {  	_ =	shalt  }

</sc_bundles>
